<compile_context>
chip_gen: v7x
topology: tpu7x:2x2x1
jax: 0.10.2.dev20260603
libtpu: 0.0.44.dev20260713+nightly
codegen_flags: <defaults>
</compile_context>

<pallas_src>
import functools

import jax
import jax.numpy as jnp
from jax import lax
from jax.experimental import pallas as pl
from jax.experimental.pallas import tpu as pltpu
from jax.experimental.pallas import tpu_sc as plsc

SEQ = 50
BATCH = 4096
EMBED = 64
PADDED = 128
VOCAB_ROWS = 1000000
N_ROWS = SEQ * BATCH

NUM_CORES = 2
NUM_SUBCORES = 16
NW = NUM_CORES * NUM_SUBCORES
B_PER_W = N_ROWS // NW
CHUNK = 128
N_CHUNKS = B_PER_W // CHUNK
NBUF = 5
ROUNDS = N_CHUNKS // NBUF

TBLOCK = 32768
TGRID = -(-VOCAB_ROWS // TBLOCK)

_mesh = plsc.VectorSubcoreMesh(core_axis_name="c", subcore_axis_name="s")


def _transpose_body(tt_ref, out_ref):
    out_ref[:, 0:EMBED] = tt_ref[...].T


def _pad_transpose_tc(tt):
    return pl.pallas_call(
        _transpose_body,
        grid=(TGRID,),
        in_specs=[pl.BlockSpec((EMBED, TBLOCK), lambda i: (0, i))],
        out_specs=pl.BlockSpec((TBLOCK, PADDED), lambda i: (i, 0)),
        out_shape=jax.ShapeDtypeStruct((VOCAB_ROWS, PADDED), jnp.float32),
    )(tt)


def _emb_body(idx_hbm, table_hbm, out_hbm, idx_v, bufs, *sems):
    g_sems = sems[:NBUF]
    s_sems = sems[NBUF:]
    wid = lax.axis_index("s") * NUM_CORES + lax.axis_index("c")
    base = wid * B_PER_W

    pltpu.sync_copy(idx_hbm.at[wid], idx_v)

    def gather(j, b):
        return pltpu.make_async_copy(
            table_hbm.at[idx_v.at[j]], bufs.at[b], g_sems[b])

    def store(j, b):
        return pltpu.make_async_copy(
            bufs.at[b, :, pl.ds(0, EMBED)],
            out_hbm.at[pl.ds(base + j * CHUNK, CHUNK), pl.ds(0, EMBED)],
            s_sems[b],
        )

    for b in range(NBUF):
        gather(b, b).start()

    def round_body(G, _):
        for b in range(NBUF):
            j = G * NBUF + b
            gather(j, b).wait()
            st = store(j, b)
            st.start()

            @pl.when(G < ROUNDS - 1)
            def _():
                st.wait()
                gather(j + NBUF, b).start()

        return ()

    lax.fori_loop(0, ROUNDS, round_body, (), unroll=False)

    for b in range(NBUF):
        store((ROUNDS - 1) * NBUF + b, b).wait()


@jax.jit
def _embedding_sc(idx, staged_table):
    call = pl.kernel(
        _emb_body,
        out_type=jax.ShapeDtypeStruct((N_ROWS, PADDED), jnp.float32),
        mesh=_mesh,
        scratch_types=[
            pltpu.VMEM((N_CHUNKS, CHUNK), jnp.int32),
            pltpu.VMEM((NBUF, CHUNK, PADDED), jnp.float32),
        ] + [pltpu.SemaphoreType.DMA] * (2 * NBUF),
        compiler_params=pltpu.CompilerParams(use_tc_tiling_on_sc=False),
    )
    return call(idx, staged_table)


def kernel(input, table):
    staged = _pad_transpose_tc(table.T)
    idx = input.reshape(NW, N_CHUNKS, CHUNK)
    out = _embedding_sc(idx, staged)
    return out.reshape(-1, BATCH, PADDED)[:, :, :EMBED]

# --- scband reference (transcript-rebuilt; emitter-appended) ---
"""Pipeline reference for scband-embedding-16527034155184 (READ-ONLY COPY).

The authoritative reference and input builder live on the scoring server;
editing this copy changes nothing except your own understanding.
"""

import jax, jax.numpy as jnp
import numpy as np

VOCAB = 1000000
EMBED = 64
BATCH = 4096
SEQ = 50


def setup_inputs(seed: int = 0) -> dict:
    key = jax.random.key(seed)
    k1, k2 = jax.random.split(key)
    inp = jax.random.randint(k1, (SEQ, BATCH), 0, VOCAB, dtype=jnp.int32)
    # embedding table (learned parameter, stands in for pre_trained init)
    table = jax.random.normal(k2, (VOCAB, EMBED), dtype=jnp.float32) * 0.02
    return {"input": inp, "table": table}


def reference(input, table):
    # nn.Embedding lookup -> gather rows, then view(-1, batch, embed_size)
    out = jnp.take(table, input, axis=0)
    return out.reshape(-1, BATCH, EMBED)

if __name__ == "__main__":
    import jax
    _d = setup_inputs()
    print(jax.jit(kernel)(*tuple(_d.values())))

</pallas_src>

<mosaic_0001>
#map = affine_map<(d0, d1) -> (0, 0, 0)>
#map1 = affine_map<(d0, d1) -> (0, 0)>
module attributes {stable_mosaic.version = 14 : i64} {
  func.func @_emb_body(%arg0: i32, %arg1: i32, %arg2: memref<32x50x128xi32, #tpu.memory_space<hbm>>, %arg3: memref<1000000x128xf32, #tpu.memory_space<hbm>>, %arg4: memref<204800x128xf32, #tpu.memory_space<hbm>>, %arg5: memref<50x128xi32, #tpu.memory_space<vmem>>, %arg6: memref<5x128x128xf32, #tpu.memory_space<vmem>>, %arg7: memref<!tpu.dma_semaphore, #tpu.memory_space<semaphore_mem>>, %arg8: memref<!tpu.dma_semaphore, #tpu.memory_space<semaphore_mem>>, %arg9: memref<!tpu.dma_semaphore, #tpu.memory_space<semaphore_mem>>, %arg10: memref<!tpu.dma_semaphore, #tpu.memory_space<semaphore_mem>>, %arg11: memref<!tpu.dma_semaphore, #tpu.memory_space<semaphore_mem>>, %arg12: memref<!tpu.dma_semaphore, #tpu.memory_space<semaphore_mem>>, %arg13: memref<!tpu.dma_semaphore, #tpu.memory_space<semaphore_mem>>, %arg14: memref<!tpu.dma_semaphore, #tpu.memory_space<semaphore_mem>>, %arg15: memref<!tpu.dma_semaphore, #tpu.memory_space<semaphore_mem>>, %arg16: memref<!tpu.dma_semaphore, #tpu.memory_space<semaphore_mem>>) attributes {dimension_semantics = [#tpu.dimension_semantics<core_parallel>, #tpu.dimension_semantics<subcore_parallel>], iteration_bounds = array<i64: 2, 16>, scalar_prefetch = 0 : i64, scratch_operands = 12 : i64, tpu.core_type = #tpu.core_type<sc_vector_subcore>, window_params = [{transform_indices = #map}, {transform_indices = #map1}, {transform_indices = #map1}]} {
    %mul3A = arith.constant 2 : i32
    %mul3A_0 = arith.muli %arg1, %mul3A : i32
    %add3A = arith.addi %mul3A_0, %arg0 : i32
    %mul3A_1 = arith.constant 6400 : i32
    %mul3A_2 = arith.muli %add3A, %mul3A_1 : i32
    "tpu.region"() ({
      %run_scoped3A = tpu.sem_alloc : memref<!tpu.dma_semaphore, #tpu.memory_space<semaphore_mem>>
      %dma_start3A_140 = arith.constant 0 : i32
      %dma_start3A_141 = arith.constant 0 : i32
      %dma_start3A_142 = tpu.memref_slice %arg2[%add3A, %dma_start3A_140, %dma_start3A_141] : memref<32x50x128xi32, #tpu.memory_space<hbm>> -> memref<1x50x128xi32, #tpu.memory_space<hbm>>
      %dma_start3A_143 = tpu.memref_squeeze %dma_start3A_142 : memref<1x50x128xi32, #tpu.memory_space<hbm>> -> memref<50x128xi32, #tpu.memory_space<hbm>>
      %dma_start3A_144 = arith.constant 0 : i32
      %dma_start3A_145 = arith.constant 0 : i32
      %dma_start3A_146 = tpu.memref_slice %arg2[%add3A, %dma_start3A_144, %dma_start3A_145] : memref<32x50x128xi32, #tpu.memory_space<hbm>> -> memref<1x50x128xi32, #tpu.memory_space<hbm>>
      %dma_start3A_147 = tpu.memref_squeeze %dma_start3A_146 : memref<1x50x128xi32, #tpu.memory_space<hbm>> -> memref<50x128xi32, #tpu.memory_space<hbm>>
      tpu.enqueue_dma source(%dma_start3A_147 : memref<50x128xi32, #tpu.memory_space<hbm>>) target(%arg5 : memref<50x128xi32, #tpu.memory_space<vmem>>) target_semaphore(%run_scoped3A : memref<!tpu.dma_semaphore, #tpu.memory_space<semaphore_mem>>)
      %dma_wait3A_148 = arith.constant 0 : i32
      %dma_wait3A_149 = arith.constant 0 : i32
      %dma_wait3A_150 = tpu.memref_slice %arg2[%add3A, %dma_wait3A_148, %dma_wait3A_149] : memref<32x50x128xi32, #tpu.memory_space<hbm>> -> memref<1x50x128xi32, #tpu.memory_space<hbm>>
      %dma_wait3A_151 = tpu.memref_squeeze %dma_wait3A_150 : memref<1x50x128xi32, #tpu.memory_space<hbm>> -> memref<50x128xi32, #tpu.memory_space<hbm>>
      %dma_wait3A_152 = arith.constant 0 : i32
      %dma_wait3A_153 = arith.constant 0 : i32
      %dma_wait3A_154 = tpu.memref_slice %arg2[%add3A, %dma_wait3A_152, %dma_wait3A_153] : memref<32x50x128xi32, #tpu.memory_space<hbm>> -> memref<1x50x128xi32, #tpu.memory_space<hbm>>
      %dma_wait3A_155 = tpu.memref_squeeze %dma_wait3A_154 : memref<1x50x128xi32, #tpu.memory_space<hbm>> -> memref<50x128xi32, #tpu.memory_space<hbm>>
      tpu.wait_dma2 semaphore(%run_scoped3A : memref<!tpu.dma_semaphore, #tpu.memory_space<semaphore_mem>>) src(%dma_wait3A_155 : memref<50x128xi32, #tpu.memory_space<hbm>>) dst(%arg5 : memref<50x128xi32, #tpu.memory_space<vmem>>)
      tpu.yield
    }) : () -> ()
    %dma_start3A = arith.constant 0 : i32
    %dma_start3A_3 = arith.constant 0 : i32
    %dma_start3A_4 = arith.constant 0 : i32
    %dma_start3A_5 = arith.constant 0 : i32
    %dma_start3A_6 = tpu.memref_slice %arg6[%dma_start3A_3, %dma_start3A_4, %dma_start3A_5] : memref<5x128x128xf32, #tpu.memory_space<vmem>> -> memref<1x128x128xf32, #tpu.memory_space<vmem>>
    %dma_start3A_7 = tpu.memref_squeeze %dma_start3A_6 : memref<1x128x128xf32, #tpu.memory_space<vmem>> -> memref<128x128xf32, #tpu.memory_space<vmem>>
    %dma_start3A_8 = arith.constant 0 : i32
    %dma_start3A_9 = tpu.memref_slice %arg5[%dma_start3A, %dma_start3A_8] : memref<50x128xi32, #tpu.memory_space<vmem>> -> memref<1x128xi32, #tpu.memory_space<vmem>>
    %dma_start3A_10 = tpu.memref_squeeze %dma_start3A_9 : memref<1x128xi32, #tpu.memory_space<vmem>> -> memref<128xi32, #tpu.memory_space<vmem>>
    %dma_start3A_11 = arith.constant 0 : i32
    %dma_start3A_12 = arith.constant 0 : i32
    %dma_start3A_13 = tpu.memref_slice %arg3[%dma_start3A_11, %dma_start3A_12] : memref<1000000x128xf32, #tpu.memory_space<hbm>> -> memref<1000000x128xf32, #tpu.memory_space<hbm>>
    tpu.enqueue_indirect_dma source(%dma_start3A_13 : memref<1000000x128xf32, #tpu.memory_space<hbm>>) target(%dma_start3A_7 : memref<128x128xf32, #tpu.memory_space<vmem>>) offsets(%dma_start3A_10 : memref<128xi32, #tpu.memory_space<vmem>>) semaphore(%arg7 : memref<!tpu.dma_semaphore, #tpu.memory_space<semaphore_mem>>)
    %dma_start3A_14 = arith.constant 1 : i32
    %dma_start3A_15 = arith.constant 1 : i32
    %dma_start3A_16 = arith.constant 0 : i32
    %dma_start3A_17 = arith.constant 0 : i32
    %dma_start3A_18 = tpu.memref_slice %arg6[%dma_start3A_15, %dma_start3A_16, %dma_start3A_17] : memref<5x128x128xf32, #tpu.memory_space<vmem>> -> memref<1x128x128xf32, #tpu.memory_space<vmem>>
    %dma_start3A_19 = tpu.memref_squeeze %dma_start3A_18 : memref<1x128x128xf32, #tpu.memory_space<vmem>> -> memref<128x128xf32, #tpu.memory_space<vmem>>
    %dma_start3A_20 = arith.constant 0 : i32
    %dma_start3A_21 = tpu.memref_slice %arg5[%dma_start3A_14, %dma_start3A_20] : memref<50x128xi32, #tpu.memory_space<vmem>> -> memref<1x128xi32, #tpu.memory_space<vmem>>
    %dma_start3A_22 = tpu.memref_squeeze %dma_start3A_21 : memref<1x128xi32, #tpu.memory_space<vmem>> -> memref<128xi32, #tpu.memory_space<vmem>>
    %dma_start3A_23 = arith.constant 0 : i32
    %dma_start3A_24 = arith.constant 0 : i32
    %dma_start3A_25 = tpu.memref_slice %arg3[%dma_start3A_23, %dma_start3A_24] : memref<1000000x128xf32, #tpu.memory_space<hbm>> -> memref<1000000x128xf32, #tpu.memory_space<hbm>>
    tpu.enqueue_indirect_dma source(%dma_start3A_25 : memref<1000000x128xf32, #tpu.memory_space<hbm>>) target(%dma_start3A_19 : memref<128x128xf32, #tpu.memory_space<vmem>>) offsets(%dma_start3A_22 : memref<128xi32, #tpu.memory_space<vmem>>) semaphore(%arg8 : memref<!tpu.dma_semaphore, #tpu.memory_space<semaphore_mem>>)
    %dma_start3A_26 = arith.constant 2 : i32
    %dma_start3A_27 = arith.constant 2 : i32
    %dma_start3A_28 = arith.constant 0 : i32
    %dma_start3A_29 = arith.constant 0 : i32
    %dma_start3A_30 = tpu.memref_slice %arg6[%dma_start3A_27, %dma_start3A_28, %dma_start3A_29] : memref<5x128x128xf32, #tpu.memory_space<vmem>> -> memref<1x128x128xf32, #tpu.memory_space<vmem>>
    %dma_start3A_31 = tpu.memref_squeeze %dma_start3A_30 : memref<1x128x128xf32, #tpu.memory_space<vmem>> -> memref<128x128xf32, #tpu.memory_space<vmem>>
    %dma_start3A_32 = arith.constant 0 : i32
    %dma_start3A_33 = tpu.memref_slice %arg5[%dma_start3A_26, %dma_start3A_32] : memref<50x128xi32, #tpu.memory_space<vmem>> -> memref<1x128xi32, #tpu.memory_space<vmem>>
    %dma_start3A_34 = tpu.memref_squeeze %dma_start3A_33 : memref<1x128xi32, #tpu.memory_space<vmem>> -> memref<128xi32, #tpu.memory_space<vmem>>
    %dma_start3A_35 = arith.constant 0 : i32
    %dma_start3A_36 = arith.constant 0 : i32
    %dma_start3A_37 = tpu.memref_slice %arg3[%dma_start3A_35, %dma_start3A_36] : memref<1000000x128xf32, #tpu.memory_space<hbm>> -> memref<1000000x128xf32, #tpu.memory_space<hbm>>
    tpu.enqueue_indirect_dma source(%dma_start3A_37 : memref<1000000x128xf32, #tpu.memory_space<hbm>>) target(%dma_start3A_31 : memref<128x128xf32, #tpu.memory_space<vmem>>) offsets(%dma_start3A_34 : memref<128xi32, #tpu.memory_space<vmem>>) semaphore(%arg9 : memref<!tpu.dma_semaphore, #tpu.memory_space<semaphore_mem>>)
    %dma_start3A_38 = arith.constant 3 : i32
    %dma_start3A_39 = arith.constant 3 : i32
    %dma_start3A_40 = arith.constant 0 : i32
    %dma_start3A_41 = arith.constant 0 : i32
    %dma_start3A_42 = tpu.memref_slice %arg6[%dma_start3A_39, %dma_start3A_40, %dma_start3A_41] : memref<5x128x128xf32, #tpu.memory_space<vmem>> -> memref<1x128x128xf32, #tpu.memory_space<vmem>>
    %dma_start3A_43 = tpu.memref_squeeze %dma_start3A_42 : memref<1x128x128xf32, #tpu.memory_space<vmem>> -> memref<128x128xf32, #tpu.memory_space<vmem>>
    %dma_start3A_44 = arith.constant 0 : i32
    %dma_start3A_45 = tpu.memref_slice %arg5[%dma_start3A_38, %dma_start3A_44] : memref<50x128xi32, #tpu.memory_space<vmem>> -> memref<1x128xi32, #tpu.memory_space<vmem>>
    %dma_start3A_46 = tpu.memref_squeeze %dma_start3A_45 : memref<1x128xi32, #tpu.memory_space<vmem>> -> memref<128xi32, #tpu.memory_space<vmem>>
    %dma_start3A_47 = arith.constant 0 : i32
    %dma_start3A_48 = arith.constant 0 : i32
    %dma_start3A_49 = tpu.memref_slice %arg3[%dma_start3A_47, %dma_start3A_48] : memref<1000000x128xf32, #tpu.memory_space<hbm>> -> memref<1000000x128xf32, #tpu.memory_space<hbm>>
    tpu.enqueue_indirect_dma source(%dma_start3A_49 : memref<1000000x128xf32, #tpu.memory_space<hbm>>) target(%dma_start3A_43 : memref<128x128xf32, #tpu.memory_space<vmem>>) offsets(%dma_start3A_46 : memref<128xi32, #tpu.memory_space<vmem>>) semaphore(%arg10 : memref<!tpu.dma_semaphore, #tpu.memory_space<semaphore_mem>>)
    %dma_start3A_50 = arith.constant 4 : i32
    %dma_start3A_51 = arith.constant 4 : i32
    %dma_start3A_52 = arith.constant 0 : i32
    %dma_start3A_53 = arith.constant 0 : i32
    %dma_start3A_54 = tpu.memref_slice %arg6[%dma_start3A_51, %dma_start3A_52, %dma_start3A_53] : memref<5x128x128xf32, #tpu.memory_space<vmem>> -> memref<1x128x128xf32, #tpu.memory_space<vmem>>
    %dma_start3A_55 = tpu.memref_squeeze %dma_start3A_54 : memref<1x128x128xf32, #tpu.memory_space<vmem>> -> memref<128x128xf32, #tpu.memory_space<vmem>>
    %dma_start3A_56 = arith.constant 0 : i32
    %dma_start3A_57 = tpu.memref_slice %arg5[%dma_start3A_50, %dma_start3A_56] : memref<50x128xi32, #tpu.memory_space<vmem>> -> memref<1x128xi32, #tpu.memory_space<vmem>>
    %dma_start3A_58 = tpu.memref_squeeze %dma_start3A_57 : memref<1x128xi32, #tpu.memory_space<vmem>> -> memref<128xi32, #tpu.memory_space<vmem>>
    %dma_start3A_59 = arith.constant 0 : i32
    %dma_start3A_60 = arith.constant 0 : i32
    %dma_start3A_61 = tpu.memref_slice %arg3[%dma_start3A_59, %dma_start3A_60] : memref<1000000x128xf32, #tpu.memory_space<hbm>> -> memref<1000000x128xf32, #tpu.memory_space<hbm>>
    tpu.enqueue_indirect_dma source(%dma_start3A_61 : memref<1000000x128xf32, #tpu.memory_space<hbm>>) target(%dma_start3A_55 : memref<128x128xf32, #tpu.memory_space<vmem>>) offsets(%dma_start3A_58 : memref<128xi32, #tpu.memory_space<vmem>>) semaphore(%arg11 : memref<!tpu.dma_semaphore, #tpu.memory_space<semaphore_mem>>)
    %scan3A = arith.constant 0 : i32
    %scan3A_62 = arith.constant 10 : i32
    %scan3A_63 = arith.addi %scan3A, %scan3A_62 : i32
    %scan3A_64 = arith.constant 1 : i32
    scf.for %scan3A_140 = %scan3A to %scan3A_63 step %scan3A_64  : i32 {
      %mul3A_141 = arith.constant 5 : i32
      %mul3A_142 = arith.muli %scan3A_140, %mul3A_141 : i32
      %add3A_143 = arith.constant 0 : i32
      %add3A_144 = arith.addi %mul3A_142, %add3A_143 : i32
      %dma_wait3A_145 = arith.constant 0 : i32
      %dma_wait3A_146 = arith.constant 0 : i32
      %dma_wait3A_147 = arith.constant 0 : i32
      %dma_wait3A_148 = tpu.memref_slice %arg6[%dma_wait3A_145, %dma_wait3A_146, %dma_wait3A_147] : memref<5x128x128xf32, #tpu.memory_space<vmem>> -> memref<1x128x128xf32, #tpu.memory_space<vmem>>
      %dma_wait3A_149 = tpu.memref_squeeze %dma_wait3A_148 : memref<1x128x128xf32, #tpu.memory_space<vmem>> -> memref<128x128xf32, #tpu.memory_space<vmem>>
      %dma_wait3A_150 = arith.constant 0 : i32
      %dma_wait3A_151 = tpu.memref_slice %arg5[%add3A_144, %dma_wait3A_150] : memref<50x128xi32, #tpu.memory_space<vmem>> -> memref<1x128xi32, #tpu.memory_space<vmem>>
      %dma_wait3A_152 = tpu.memref_squeeze %dma_wait3A_151 : memref<1x128xi32, #tpu.memory_space<vmem>> -> memref<128xi32, #tpu.memory_space<vmem>>
      %dma_wait3A_153 = arith.constant 0 : i32
      %dma_wait3A_154 = arith.constant 0 : i32
      %dma_wait3A_155 = tpu.memref_slice %arg3[%dma_wait3A_153, %dma_wait3A_154] : memref<1000000x128xf32, #tpu.memory_space<hbm>> -> memref<1000000x128xf32, #tpu.memory_space<hbm>>
      tpu.wait_indirect_dma semaphore(%arg7 : memref<!tpu.dma_semaphore, #tpu.memory_space<semaphore_mem>>) src(%dma_wait3A_155 : memref<1000000x128xf32, #tpu.memory_space<hbm>>) dst(%dma_wait3A_149 : memref<128x128xf32, #tpu.memory_space<vmem>>)
      %mul3A_156 = arith.constant 128 : i32
      %mul3A_157 = arith.muli %add3A_144, %mul3A_156 : i32
      %add3A_158 = arith.addi %mul3A_2, %mul3A_157 : i32
      %dma_start3A_159 = arith.constant 0 : i32
      %dma_start3A_160 = arith.constant 0 : i32
      %dma_start3A_161 = arith.constant 0 : i32
      %dma_start3A_162 = tpu.memref_slice %arg6[%dma_start3A_159, %dma_start3A_160, %dma_start3A_161] : memref<5x128x128xf32, #tpu.memory_space<vmem>> -> memref<1x128x64xf32, #tpu.memory_space<vmem>>
      %dma_start3A_163 = tpu.memref_squeeze %dma_start3A_162 : memref<1x128x64xf32, #tpu.memory_space<vmem>> -> memref<128x64xf32, #tpu.memory_space<vmem>>
      %dma_start3A_164 = arith.constant 0 : i32
      %dma_start3A_165 = tpu.memref_slice %arg4[%add3A_158, %dma_start3A_164] : memref<204800x128xf32, #tpu.memory_space<hbm>> -> memref<128x64xf32, #tpu.memory_space<hbm>>
      %dma_start3A_166 = arith.constant 0 : i32
      %dma_start3A_167 = tpu.memref_slice %arg4[%add3A_158, %dma_start3A_166] : memref<204800x128xf32, #tpu.memory_space<hbm>> -> memref<128x64xf32, #tpu.memory_space<hbm>>
      %dma_start3A_168 = arith.constant 0 : i32
      %dma_start3A_169 = arith.constant 0 : i32
      %dma_start3A_170 = tpu.memref_slice %arg6[%dma_start3A_159, %dma_start3A_168, %dma_start3A_169] : memref<5x128x128xf32, #tpu.memory_space<vmem>> -> memref<1x128x64xf32, #tpu.memory_space<vmem>>
      %dma_start3A_171 = tpu.memref_squeeze %dma_start3A_170 : memref<1x128x64xf32, #tpu.memory_space<vmem>> -> memref<128x64xf32, #tpu.memory_space<vmem>>
      tpu.enqueue_dma source(%dma_start3A_171 : memref<128x64xf32, #tpu.memory_space<vmem>>) target(%dma_start3A_167 : memref<128x64xf32, #tpu.memory_space<hbm>>) target_semaphore(%arg12 : memref<!tpu.dma_semaphore, #tpu.memory_space<semaphore_mem>>)
      %lt3A = arith.constant 9 : i32
      %lt3A_172 = arith.cmpi slt, %scan3A_140, %lt3A : i32
      %convert_element_type3A = arith.extui %lt3A_172 : i1 to i32
      %cond3A = arith.constant 0 : i32
      %cond3A_173 = arith.constant 0 : i32
      %cond3A_174 = arith.cmpi ne, %convert_element_type3A, %cond3A_173 : i32
      scf.if %cond3A_174 {
        %dma_wait3A_323 = arith.constant 0 : i32
        %dma_wait3A_324 = arith.constant 0 : i32
        %dma_wait3A_325 = tpu.memref_slice %arg6[%cond3A, %dma_wait3A_323, %dma_wait3A_324] : memref<5x128x128xf32, #tpu.memory_space<vmem>> -> memref<1x128x64xf32, #tpu.memory_space<vmem>>
        %dma_wait3A_326 = tpu.memref_squeeze %dma_wait3A_325 : memref<1x128x64xf32, #tpu.memory_space<vmem>> -> memref<128x64xf32, #tpu.memory_space<vmem>>
        %dma_wait3A_327 = arith.constant 0 : i32
        %dma_wait3A_328 = tpu.memref_slice %arg4[%add3A_158, %dma_wait3A_327] : memref<204800x128xf32, #tpu.memory_space<hbm>> -> memref<128x64xf32, #tpu.memory_space<hbm>>
        %dma_wait3A_329 = arith.constant 0 : i32
        %dma_wait3A_330 = tpu.memref_slice %arg4[%add3A_158, %dma_wait3A_329] : memref<204800x128xf32, #tpu.memory_space<hbm>> -> memref<128x64xf32, #tpu.memory_space<hbm>>
        %dma_wait3A_331 = arith.constant 0 : i32
        %dma_wait3A_332 = arith.constant 0 : i32
        %dma_wait3A_333 = tpu.memref_slice %arg6[%cond3A, %dma_wait3A_331, %dma_wait3A_332] : memref<5x128x128xf32, #tpu.memory_space<vmem>> -> memref<1x128x64xf32, #tpu.memory_space<vmem>>
        %dma_wait3A_334 = tpu.memref_squeeze %dma_wait3A_333 : memref<1x128x64xf32, #tpu.memory_space<vmem>> -> memref<128x64xf32, #tpu.memory_space<vmem>>
        tpu.wait_dma2 semaphore(%arg12 : memref<!tpu.dma_semaphore, #tpu.memory_space<semaphore_mem>>) src(%dma_wait3A_334 : memref<128x64xf32, #tpu.memory_space<vmem>>) dst(%dma_wait3A_330 : memref<128x64xf32, #tpu.memory_space<hbm>>)
        %add3A_335 = arith.constant 5 : i32
        %add3A_336 = arith.addi %add3A_144, %add3A_335 : i32
        %dma_start3A_337 = arith.constant 0 : i32
        %dma_start3A_338 = arith.constant 0 : i32
        %dma_start3A_339 = arith.constant 0 : i32
        %dma_start3A_340 = tpu.memref_slice %arg6[%dma_start3A_337, %dma_start3A_338, %dma_start3A_339] : memref<5x128x128xf32, #tpu.memory_space<vmem>> -> memref<1x128x128xf32, #tpu.memory_space<vmem>>
        %dma_start3A_341 = tpu.memref_squeeze %dma_start3A_340 : memref<1x128x128xf32, #tpu.memory_space<vmem>> -> memref<128x128xf32, #tpu.memory_space<vmem>>
        %dma_start3A_342 = arith.constant 0 : i32
        %dma_start3A_343 = tpu.memref_slice %arg5[%add3A_336, %dma_start3A_342] : memref<50x128xi32, #tpu.memory_space<vmem>> -> memref<1x128xi32, #tpu.memory_space<vmem>>
        %dma_start3A_344 = tpu.memref_squeeze %dma_start3A_343 : memref<1x128xi32, #tpu.memory_space<vmem>> -> memref<128xi32, #tpu.memory_space<vmem>>
        %dma_start3A_345 = arith.constant 0 : i32
        %dma_start3A_346 = arith.constant 0 : i32
        %dma_start3A_347 = tpu.memref_slice %arg3[%dma_start3A_345, %dma_start3A_346] : memref<1000000x128xf32, #tpu.memory_space<hbm>> -> memref<1000000x128xf32, #tpu.memory_space<hbm>>
        tpu.enqueue_indirect_dma source(%dma_start3A_347 : memref<1000000x128xf32, #tpu.memory_space<hbm>>) target(%dma_start3A_341 : memref<128x128xf32, #tpu.memory_space<vmem>>) offsets(%dma_start3A_344 : memref<128xi32, #tpu.memory_space<vmem>>) semaphore(%arg7 : memref<!tpu.dma_semaphore, #tpu.memory_space<semaphore_mem>>)
      } else {
      }
      %mul3A_175 = arith.constant 5 : i32
      %mul3A_176 = arith.muli %scan3A_140, %mul3A_175 : i32
      %add3A_177 = arith.constant 1 : i32
      %add3A_178 = arith.addi %mul3A_176, %add3A_177 : i32
      %dma_wait3A_179 = arith.constant 1 : i32
      %dma_wait3A_180 = arith.constant 0 : i32
      %dma_wait3A_181 = arith.constant 0 : i32
      %dma_wait3A_182 = tpu.memref_slice %arg6[%dma_wait3A_179, %dma_wait3A_180, %dma_wait3A_181] : memref<5x128x128xf32, #tpu.memory_space<vmem>> -> memref<1x128x128xf32, #tpu.memory_space<vmem>>
      %dma_wait3A_183 = tpu.memref_squeeze %dma_wait3A_182 : memref<1x128x128xf32, #tpu.memory_space<vmem>> -> memref<128x128xf32, #tpu.memory_space<vmem>>
      %dma_wait3A_184 = arith.constant 0 : i32
      %dma_wait3A_185 = tpu.memref_slice %arg5[%add3A_178, %dma_wait3A_184] : memref<50x128xi32, #tpu.memory_space<vmem>> -> memref<1x128xi32, #tpu.memory_space<vmem>>
      %dma_wait3A_186 = tpu.memref_squeeze %dma_wait3A_185 : memref<1x128xi32, #tpu.memory_space<vmem>> -> memref<128xi32, #tpu.memory_space<vmem>>
      %dma_wait3A_187 = arith.constant 0 : i32
      %dma_wait3A_188 = arith.constant 0 : i32
      %dma_wait3A_189 = tpu.memref_slice %arg3[%dma_wait3A_187, %dma_wait3A_188] : memref<1000000x128xf32, #tpu.memory_space<hbm>> -> memref<1000000x128xf32, #tpu.memory_space<hbm>>
      tpu.wait_indirect_dma semaphore(%arg8 : memref<!tpu.dma_semaphore, #tpu.memory_space<semaphore_mem>>) src(%dma_wait3A_189 : memref<1000000x128xf32, #tpu.memory_space<hbm>>) dst(%dma_wait3A_183 : memref<128x128xf32, #tpu.memory_space<vmem>>)
      %mul3A_190 = arith.constant 128 : i32
      %mul3A_191 = arith.muli %add3A_178, %mul3A_190 : i32
      %add3A_192 = arith.addi %mul3A_2, %mul3A_191 : i32
      %dma_start3A_193 = arith.constant 1 : i32
      %dma_start3A_194 = arith.constant 0 : i32
      %dma_start3A_195 = arith.constant 0 : i32
      %dma_start3A_196 = tpu.memref_slice %arg6[%dma_start3A_193, %dma_start3A_194, %dma_start3A_195] : memref<5x128x128xf32, #tpu.memory_space<vmem>> -> memref<1x128x64xf32, #tpu.memory_space<vmem>>
      %dma_start3A_197 = tpu.memref_squeeze %dma_start3A_196 : memref<1x128x64xf32, #tpu.memory_space<vmem>> -> memref<128x64xf32, #tpu.memory_space<vmem>>
      %dma_start3A_198 = arith.constant 0 : i32
      %dma_start3A_199 = tpu.memref_slice %arg4[%add3A_192, %dma_start3A_198] : memref<204800x128xf32, #tpu.memory_space<hbm>> -> memref<128x64xf32, #tpu.memory_space<hbm>>
      %dma_start3A_200 = arith.constant 0 : i32
      %dma_start3A_201 = tpu.memref_slice %arg4[%add3A_192, %dma_start3A_200] : memref<204800x128xf32, #tpu.memory_space<hbm>> -> memref<128x64xf32, #tpu.memory_space<hbm>>
      %dma_start3A_202 = arith.constant 0 : i32
      %dma_start3A_203 = arith.constant 0 : i32
      %dma_start3A_204 = tpu.memref_slice %arg6[%dma_start3A_193, %dma_start3A_202, %dma_start3A_203] : memref<5x128x128xf32, #tpu.memory_space<vmem>> -> memref<1x128x64xf32, #tpu.memory_space<vmem>>
      %dma_start3A_205 = tpu.memref_squeeze %dma_start3A_204 : memref<1x128x64xf32, #tpu.memory_space<vmem>> -> memref<128x64xf32, #tpu.memory_space<vmem>>
      tpu.enqueue_dma source(%dma_start3A_205 : memref<128x64xf32, #tpu.memory_space<vmem>>) target(%dma_start3A_201 : memref<128x64xf32, #tpu.memory_space<hbm>>) target_semaphore(%arg13 : memref<!tpu.dma_semaphore, #tpu.memory_space<semaphore_mem>>)
      %lt3A_206 = arith.constant 9 : i32
      %lt3A_207 = arith.cmpi slt, %scan3A_140, %lt3A_206 : i32
      %convert_element_type3A_208 = arith.extui %lt3A_207 : i1 to i32
      %cond3A_209 = arith.constant 1 : i32
      %cond3A_210 = arith.constant 0 : i32
      %cond3A_211 = arith.cmpi ne, %convert_element_type3A_208, %cond3A_210 : i32
      scf.if %cond3A_211 {
        %dma_wait3A_323 = arith.constant 0 : i32
        %dma_wait3A_324 = arith.constant 0 : i32
        %dma_wait3A_325 = tpu.memref_slice %arg6[%cond3A_209, %dma_wait3A_323, %dma_wait3A_324] : memref<5x128x128xf32, #tpu.memory_space<vmem>> -> memref<1x128x64xf32, #tpu.memory_space<vmem>>
        %dma_wait3A_326 = tpu.memref_squeeze %dma_wait3A_325 : memref<1x128x64xf32, #tpu.memory_space<vmem>> -> memref<128x64xf32, #tpu.memory_space<vmem>>
        %dma_wait3A_327 = arith.constant 0 : i32
        %dma_wait3A_328 = tpu.memref_slice %arg4[%add3A_192, %dma_wait3A_327] : memref<204800x128xf32, #tpu.memory_space<hbm>> -> memref<128x64xf32, #tpu.memory_space<hbm>>
        %dma_wait3A_329 = arith.constant 0 : i32
        %dma_wait3A_330 = tpu.memref_slice %arg4[%add3A_192, %dma_wait3A_329] : memref<204800x128xf32, #tpu.memory_space<hbm>> -> memref<128x64xf32, #tpu.memory_space<hbm>>
        %dma_wait3A_331 = arith.constant 0 : i32
        %dma_wait3A_332 = arith.constant 0 : i32
        %dma_wait3A_333 = tpu.memref_slice %arg6[%cond3A_209, %dma_wait3A_331, %dma_wait3A_332] : memref<5x128x128xf32, #tpu.memory_space<vmem>> -> memref<1x128x64xf32, #tpu.memory_space<vmem>>
        %dma_wait3A_334 = tpu.memref_squeeze %dma_wait3A_333 : memref<1x128x64xf32, #tpu.memory_space<vmem>> -> memref<128x64xf32, #tpu.memory_space<vmem>>
        tpu.wait_dma2 semaphore(%arg13 : memref<!tpu.dma_semaphore, #tpu.memory_space<semaphore_mem>>) src(%dma_wait3A_334 : memref<128x64xf32, #tpu.memory_space<vmem>>) dst(%dma_wait3A_330 : memref<128x64xf32, #tpu.memory_space<hbm>>)
        %add3A_335 = arith.constant 5 : i32
        %add3A_336 = arith.addi %add3A_178, %add3A_335 : i32
        %dma_start3A_337 = arith.constant 1 : i32
        %dma_start3A_338 = arith.constant 0 : i32
        %dma_start3A_339 = arith.constant 0 : i32
        %dma_start3A_340 = tpu.memref_slice %arg6[%dma_start3A_337, %dma_start3A_338, %dma_start3A_339] : memref<5x128x128xf32, #tpu.memory_space<vmem>> -> memref<1x128x128xf32, #tpu.memory_space<vmem>>
        %dma_start3A_341 = tpu.memref_squeeze %dma_start3A_340 : memref<1x128x128xf32, #tpu.memory_space<vmem>> -> memref<128x128xf32, #tpu.memory_space<vmem>>
        %dma_start3A_342 = arith.constant 0 : i32
        %dma_start3A_343 = tpu.memref_slice %arg5[%add3A_336, %dma_start3A_342] : memref<50x128xi32, #tpu.memory_space<vmem>> -> memref<1x128xi32, #tpu.memory_space<vmem>>
        %dma_start3A_344 = tpu.memref_squeeze %dma_start3A_343 : memref<1x128xi32, #tpu.memory_space<vmem>> -> memref<128xi32, #tpu.memory_space<vmem>>
        %dma_start3A_345 = arith.constant 0 : i32
        %dma_start3A_346 = arith.constant 0 : i32
        %dma_start3A_347 = tpu.memref_slice %arg3[%dma_start3A_345, %dma_start3A_346] : memref<1000000x128xf32, #tpu.memory_space<hbm>> -> memref<1000000x128xf32, #tpu.memory_space<hbm>>
        tpu.enqueue_indirect_dma source(%dma_start3A_347 : memref<1000000x128xf32, #tpu.memory_space<hbm>>) target(%dma_start3A_341 : memref<128x128xf32, #tpu.memory_space<vmem>>) offsets(%dma_start3A_344 : memref<128xi32, #tpu.memory_space<vmem>>) semaphore(%arg8 : memref<!tpu.dma_semaphore, #tpu.memory_space<semaphore_mem>>)
      } else {
      }
      %mul3A_212 = arith.constant 5 : i32
      %mul3A_213 = arith.muli %scan3A_140, %mul3A_212 : i32
      %add3A_214 = arith.constant 2 : i32
      %add3A_215 = arith.addi %mul3A_213, %add3A_214 : i32
      %dma_wait3A_216 = arith.constant 2 : i32
      %dma_wait3A_217 = arith.constant 0 : i32
      %dma_wait3A_218 = arith.constant 0 : i32
      %dma_wait3A_219 = tpu.memref_slice %arg6[%dma_wait3A_216, %dma_wait3A_217, %dma_wait3A_218] : memref<5x128x128xf32, #tpu.memory_space<vmem>> -> memref<1x128x128xf32, #tpu.memory_space<vmem>>
      %dma_wait3A_220 = tpu.memref_squeeze %dma_wait3A_219 : memref<1x128x128xf32, #tpu.memory_space<vmem>> -> memref<128x128xf32, #tpu.memory_space<vmem>>
      %dma_wait3A_221 = arith.constant 0 : i32
      %dma_wait3A_222 = tpu.memref_slice %arg5[%add3A_215, %dma_wait3A_221] : memref<50x128xi32, #tpu.memory_space<vmem>> -> memref<1x128xi32, #tpu.memory_space<vmem>>
      %dma_wait3A_223 = tpu.memref_squeeze %dma_wait3A_222 : memref<1x128xi32, #tpu.memory_space<vmem>> -> memref<128xi32, #tpu.memory_space<vmem>>
      %dma_wait3A_224 = arith.constant 0 : i32
      %dma_wait3A_225 = arith.constant 0 : i32
      %dma_wait3A_226 = tpu.memref_slice %arg3[%dma_wait3A_224, %dma_wait3A_225] : memref<1000000x128xf32, #tpu.memory_space<hbm>> -> memref<1000000x128xf32, #tpu.memory_space<hbm>>
      tpu.wait_indirect_dma semaphore(%arg9 : memref<!tpu.dma_semaphore, #tpu.memory_space<semaphore_mem>>) src(%dma_wait3A_226 : memref<1000000x128xf32, #tpu.memory_space<hbm>>) dst(%dma_wait3A_220 : memref<128x128xf32, #tpu.memory_space<vmem>>)
      %mul3A_227 = arith.constant 128 : i32
      %mul3A_228 = arith.muli %add3A_215, %mul3A_227 : i32
      %add3A_229 = arith.addi %mul3A_2, %mul3A_228 : i32
      %dma_start3A_230 = arith.constant 2 : i32
      %dma_start3A_231 = arith.constant 0 : i32
      %dma_start3A_232 = arith.constant 0 : i32
      %dma_start3A_233 = tpu.memref_slice %arg6[%dma_start3A_230, %dma_start3A_231, %dma_start3A_232] : memref<5x128x128xf32, #tpu.memory_space<vmem>> -> memref<1x128x64xf32, #tpu.memory_space<vmem>>
      %dma_start3A_234 = tpu.memref_squeeze %dma_start3A_233 : memref<1x128x64xf32, #tpu.memory_space<vmem>> -> memref<128x64xf32, #tpu.memory_space<vmem>>
      %dma_start3A_235 = arith.constant 0 : i32
      %dma_start3A_236 = tpu.memref_slice %arg4[%add3A_229, %dma_start3A_235] : memref<204800x128xf32, #tpu.memory_space<hbm>> -> memref<128x64xf32, #tpu.memory_space<hbm>>
      %dma_start3A_237 = arith.constant 0 : i32
      %dma_start3A_238 = tpu.memref_slice %arg4[%add3A_229, %dma_start3A_237] : memref<204800x128xf32, #tpu.memory_space<hbm>> -> memref<128x64xf32, #tpu.memory_space<hbm>>
      %dma_start3A_239 = arith.constant 0 : i32
      %dma_start3A_240 = arith.constant 0 : i32
      %dma_start3A_241 = tpu.memref_slice %arg6[%dma_start3A_230, %dma_start3A_239, %dma_start3A_240] : memref<5x128x128xf32, #tpu.memory_space<vmem>> -> memref<1x128x64xf32, #tpu.memory_space<vmem>>
      %dma_start3A_242 = tpu.memref_squeeze %dma_start3A_241 : memref<1x128x64xf32, #tpu.memory_space<vmem>> -> memref<128x64xf32, #tpu.memory_space<vmem>>
      tpu.enqueue_dma source(%dma_start3A_242 : memref<128x64xf32, #tpu.memory_space<vmem>>) target(%dma_start3A_238 : memref<128x64xf32, #tpu.memory_space<hbm>>) target_semaphore(%arg14 : memref<!tpu.dma_semaphore, #tpu.memory_space<semaphore_mem>>)
      %lt3A_243 = arith.constant 9 : i32
      %lt3A_244 = arith.cmpi slt, %scan3A_140, %lt3A_243 : i32
      %convert_element_type3A_245 = arith.extui %lt3A_244 : i1 to i32
      %cond3A_246 = arith.constant 2 : i32
      %cond3A_247 = arith.constant 0 : i32
      %cond3A_248 = arith.cmpi ne, %convert_element_type3A_245, %cond3A_247 : i32
      scf.if %cond3A_248 {
        %dma_wait3A_323 = arith.constant 0 : i32
        %dma_wait3A_324 = arith.constant 0 : i32
        %dma_wait3A_325 = tpu.memref_slice %arg6[%cond3A_246, %dma_wait3A_323, %dma_wait3A_324] : memref<5x128x128xf32, #tpu.memory_space<vmem>> -> memref<1x128x64xf32, #tpu.memory_space<vmem>>
        %dma_wait3A_326 = tpu.memref_squeeze %dma_wait3A_325 : memref<1x128x64xf32, #tpu.memory_space<vmem>> -> memref<128x64xf32, #tpu.memory_space<vmem>>
        %dma_wait3A_327 = arith.constant 0 : i32
        %dma_wait3A_328 = tpu.memref_slice %arg4[%add3A_229, %dma_wait3A_327] : memref<204800x128xf32, #tpu.memory_space<hbm>> -> memref<128x64xf32, #tpu.memory_space<hbm>>
        %dma_wait3A_329 = arith.constant 0 : i32
        %dma_wait3A_330 = tpu.memref_slice %arg4[%add3A_229, %dma_wait3A_329] : memref<204800x128xf32, #tpu.memory_space<hbm>> -> memref<128x64xf32, #tpu.memory_space<hbm>>
        %dma_wait3A_331 = arith.constant 0 : i32
        %dma_wait3A_332 = arith.constant 0 : i32
        %dma_wait3A_333 = tpu.memref_slice %arg6[%cond3A_246, %dma_wait3A_331, %dma_wait3A_332] : memref<5x128x128xf32, #tpu.memory_space<vmem>> -> memref<1x128x64xf32, #tpu.memory_space<vmem>>
        %dma_wait3A_334 = tpu.memref_squeeze %dma_wait3A_333 : memref<1x128x64xf32, #tpu.memory_space<vmem>> -> memref<128x64xf32, #tpu.memory_space<vmem>>
        tpu.wait_dma2 semaphore(%arg14 : memref<!tpu.dma_semaphore, #tpu.memory_space<semaphore_mem>>) src(%dma_wait3A_334 : memref<128x64xf32, #tpu.memory_space<vmem>>) dst(%dma_wait3A_330 : memref<128x64xf32, #tpu.memory_space<hbm>>)
        %add3A_335 = arith.constant 5 : i32
        %add3A_336 = arith.addi %add3A_215, %add3A_335 : i32
        %dma_start3A_337 = arith.constant 2 : i32
        %dma_start3A_338 = arith.constant 0 : i32
        %dma_start3A_339 = arith.constant 0 : i32
        %dma_start3A_340 = tpu.memref_slice %arg6[%dma_start3A_337, %dma_start3A_338, %dma_start3A_339] : memref<5x128x128xf32, #tpu.memory_space<vmem>> -> memref<1x128x128xf32, #tpu.memory_space<vmem>>
        %dma_start3A_341 = tpu.memref_squeeze %dma_start3A_340 : memref<1x128x128xf32, #tpu.memory_space<vmem>> -> memref<128x128xf32, #tpu.memory_space<vmem>>
        %dma_start3A_342 = arith.constant 0 : i32
        %dma_start3A_343 = tpu.memref_slice %arg5[%add3A_336, %dma_start3A_342] : memref<50x128xi32, #tpu.memory_space<vmem>> -> memref<1x128xi32, #tpu.memory_space<vmem>>
        %dma_start3A_344 = tpu.memref_squeeze %dma_start3A_343 : memref<1x128xi32, #tpu.memory_space<vmem>> -> memref<128xi32, #tpu.memory_space<vmem>>
        %dma_start3A_345 = arith.constant 0 : i32
        %dma_start3A_346 = arith.constant 0 : i32
        %dma_start3A_347 = tpu.memref_slice %arg3[%dma_start3A_345, %dma_start3A_346] : memref<1000000x128xf32, #tpu.memory_space<hbm>> -> memref<1000000x128xf32, #tpu.memory_space<hbm>>
        tpu.enqueue_indirect_dma source(%dma_start3A_347 : memref<1000000x128xf32, #tpu.memory_space<hbm>>) target(%dma_start3A_341 : memref<128x128xf32, #tpu.memory_space<vmem>>) offsets(%dma_start3A_344 : memref<128xi32, #tpu.memory_space<vmem>>) semaphore(%arg9 : memref<!tpu.dma_semaphore, #tpu.memory_space<semaphore_mem>>)
      } else {
      }
      %mul3A_249 = arith.constant 5 : i32
      %mul3A_250 = arith.muli %scan3A_140, %mul3A_249 : i32
      %add3A_251 = arith.constant 3 : i32
      %add3A_252 = arith.addi %mul3A_250, %add3A_251 : i32
      %dma_wait3A_253 = arith.constant 3 : i32
      %dma_wait3A_254 = arith.constant 0 : i32
      %dma_wait3A_255 = arith.constant 0 : i32
      %dma_wait3A_256 = tpu.memref_slice %arg6[%dma_wait3A_253, %dma_wait3A_254, %dma_wait3A_255] : memref<5x128x128xf32, #tpu.memory_space<vmem>> -> memref<1x128x128xf32, #tpu.memory_space<vmem>>
      %dma_wait3A_257 = tpu.memref_squeeze %dma_wait3A_256 : memref<1x128x128xf32, #tpu.memory_space<vmem>> -> memref<128x128xf32, #tpu.memory_space<vmem>>
      %dma_wait3A_258 = arith.constant 0 : i32
      %dma_wait3A_259 = tpu.memref_slice %arg5[%add3A_252, %dma_wait3A_258] : memref<50x128xi32, #tpu.memory_space<vmem>> -> memref<1x128xi32, #tpu.memory_space<vmem>>
      %dma_wait3A_260 = tpu.memref_squeeze %dma_wait3A_259 : memref<1x128xi32, #tpu.memory_space<vmem>> -> memref<128xi32, #tpu.memory_space<vmem>>
      %dma_wait3A_261 = arith.constant 0 : i32
      %dma_wait3A_262 = arith.constant 0 : i32
      %dma_wait3A_263 = tpu.memref_slice %arg3[%dma_wait3A_261, %dma_wait3A_262] : memref<1000000x128xf32, #tpu.memory_space<hbm>> -> memref<1000000x128xf32, #tpu.memory_space<hbm>>
      tpu.wait_indirect_dma semaphore(%arg10 : memref<!tpu.dma_semaphore, #tpu.memory_space<semaphore_mem>>) src(%dma_wait3A_263 : memref<1000000x128xf32, #tpu.memory_space<hbm>>) dst(%dma_wait3A_257 : memref<128x128xf32, #tpu.memory_space<vmem>>)
      %mul3A_264 = arith.constant 128 : i32
      %mul3A_265 = arith.muli %add3A_252, %mul3A_264 : i32
      %add3A_266 = arith.addi %mul3A_2, %mul3A_265 : i32
      %dma_start3A_267 = arith.constant 3 : i32
      %dma_start3A_268 = arith.constant 0 : i32
      %dma_start3A_269 = arith.constant 0 : i32
      %dma_start3A_270 = tpu.memref_slice %arg6[%dma_start3A_267, %dma_start3A_268, %dma_start3A_269] : memref<5x128x128xf32, #tpu.memory_space<vmem>> -> memref<1x128x64xf32, #tpu.memory_space<vmem>>
      %dma_start3A_271 = tpu.memref_squeeze %dma_start3A_270 : memref<1x128x64xf32, #tpu.memory_space<vmem>> -> memref<128x64xf32, #tpu.memory_space<vmem>>
      %dma_start3A_272 = arith.constant 0 : i32
      %dma_start3A_273 = tpu.memref_slice %arg4[%add3A_266, %dma_start3A_272] : memref<204800x128xf32, #tpu.memory_space<hbm>> -> memref<128x64xf32, #tpu.memory_space<hbm>>
      %dma_start3A_274 = arith.constant 0 : i32
      %dma_start3A_275 = tpu.memref_slice %arg4[%add3A_266, %dma_start3A_274] : memref<204800x128xf32, #tpu.memory_space<hbm>> -> memref<128x64xf32, #tpu.memory_space<hbm>>
      %dma_start3A_276 = arith.constant 0 : i32
      %dma_start3A_277 = arith.constant 0 : i32
      %dma_start3A_278 = tpu.memref_slice %arg6[%dma_start3A_267, %dma_start3A_276, %dma_start3A_277] : memref<5x128x128xf32, #tpu.memory_space<vmem>> -> memref<1x128x64xf32, #tpu.memory_space<vmem>>
      %dma_start3A_279 = tpu.memref_squeeze %dma_start3A_278 : memref<1x128x64xf32, #tpu.memory_space<vmem>> -> memref<128x64xf32, #tpu.memory_space<vmem>>
      tpu.enqueue_dma source(%dma_start3A_279 : memref<128x64xf32, #tpu.memory_space<vmem>>) target(%dma_start3A_275 : memref<128x64xf32, #tpu.memory_space<hbm>>) target_semaphore(%arg15 : memref<!tpu.dma_semaphore, #tpu.memory_space<semaphore_mem>>)
      %lt3A_280 = arith.constant 9 : i32
      %lt3A_281 = arith.cmpi slt, %scan3A_140, %lt3A_280 : i32
      %convert_element_type3A_282 = arith.extui %lt3A_281 : i1 to i32
      %cond3A_283 = arith.constant 3 : i32
      %cond3A_284 = arith.constant 0 : i32
      %cond3A_285 = arith.cmpi ne, %convert_element_type3A_282, %cond3A_284 : i32
      scf.if %cond3A_285 {
        %dma_wait3A_323 = arith.constant 0 : i32
        %dma_wait3A_324 = arith.constant 0 : i32
        %dma_wait3A_325 = tpu.memref_slice %arg6[%cond3A_283, %dma_wait3A_323, %dma_wait3A_324] : memref<5x128x128xf32, #tpu.memory_space<vmem>> -> memref<1x128x64xf32, #tpu.memory_space<vmem>>
        %dma_wait3A_326 = tpu.memref_squeeze %dma_wait3A_325 : memref<1x128x64xf32, #tpu.memory_space<vmem>> -> memref<128x64xf32, #tpu.memory_space<vmem>>
        %dma_wait3A_327 = arith.constant 0 : i32
        %dma_wait3A_328 = tpu.memref_slice %arg4[%add3A_266, %dma_wait3A_327] : memref<204800x128xf32, #tpu.memory_space<hbm>> -> memref<128x64xf32, #tpu.memory_space<hbm>>
        %dma_wait3A_329 = arith.constant 0 : i32
        %dma_wait3A_330 = tpu.memref_slice %arg4[%add3A_266, %dma_wait3A_329] : memref<204800x128xf32, #tpu.memory_space<hbm>> -> memref<128x64xf32, #tpu.memory_space<hbm>>
        %dma_wait3A_331 = arith.constant 0 : i32
        %dma_wait3A_332 = arith.constant 0 : i32
        %dma_wait3A_333 = tpu.memref_slice %arg6[%cond3A_283, %dma_wait3A_331, %dma_wait3A_332] : memref<5x128x128xf32, #tpu.memory_space<vmem>> -> memref<1x128x64xf32, #tpu.memory_space<vmem>>
        %dma_wait3A_334 = tpu.memref_squeeze %dma_wait3A_333 : memref<1x128x64xf32, #tpu.memory_space<vmem>> -> memref<128x64xf32, #tpu.memory_space<vmem>>
        tpu.wait_dma2 semaphore(%arg15 : memref<!tpu.dma_semaphore, #tpu.memory_space<semaphore_mem>>) src(%dma_wait3A_334 : memref<128x64xf32, #tpu.memory_space<vmem>>) dst(%dma_wait3A_330 : memref<128x64xf32, #tpu.memory_space<hbm>>)
        %add3A_335 = arith.constant 5 : i32
        %add3A_336 = arith.addi %add3A_252, %add3A_335 : i32
        %dma_start3A_337 = arith.constant 3 : i32
        %dma_start3A_338 = arith.constant 0 : i32
        %dma_start3A_339 = arith.constant 0 : i32
        %dma_start3A_340 = tpu.memref_slice %arg6[%dma_start3A_337, %dma_start3A_338, %dma_start3A_339] : memref<5x128x128xf32, #tpu.memory_space<vmem>> -> memref<1x128x128xf32, #tpu.memory_space<vmem>>
        %dma_start3A_341 = tpu.memref_squeeze %dma_start3A_340 : memref<1x128x128xf32, #tpu.memory_space<vmem>> -> memref<128x128xf32, #tpu.memory_space<vmem>>
        %dma_start3A_342 = arith.constant 0 : i32
        %dma_start3A_343 = tpu.memref_slice %arg5[%add3A_336, %dma_start3A_342] : memref<50x128xi32, #tpu.memory_space<vmem>> -> memref<1x128xi32, #tpu.memory_space<vmem>>
        %dma_start3A_344 = tpu.memref_squeeze %dma_start3A_343 : memref<1x128xi32, #tpu.memory_space<vmem>> -> memref<128xi32, #tpu.memory_space<vmem>>
        %dma_start3A_345 = arith.constant 0 : i32
        %dma_start3A_346 = arith.constant 0 : i32
        %dma_start3A_347 = tpu.memref_slice %arg3[%dma_start3A_345, %dma_start3A_346] : memref<1000000x128xf32, #tpu.memory_space<hbm>> -> memref<1000000x128xf32, #tpu.memory_space<hbm>>
        tpu.enqueue_indirect_dma source(%dma_start3A_347 : memref<1000000x128xf32, #tpu.memory_space<hbm>>) target(%dma_start3A_341 : memref<128x128xf32, #tpu.memory_space<vmem>>) offsets(%dma_start3A_344 : memref<128xi32, #tpu.memory_space<vmem>>) semaphore(%arg10 : memref<!tpu.dma_semaphore, #tpu.memory_space<semaphore_mem>>)
      } else {
      }
      %mul3A_286 = arith.constant 5 : i32
      %mul3A_287 = arith.muli %scan3A_140, %mul3A_286 : i32
      %add3A_288 = arith.constant 4 : i32
      %add3A_289 = arith.addi %mul3A_287, %add3A_288 : i32
      %dma_wait3A_290 = arith.constant 4 : i32
      %dma_wait3A_291 = arith.constant 0 : i32
      %dma_wait3A_292 = arith.constant 0 : i32
      %dma_wait3A_293 = tpu.memref_slice %arg6[%dma_wait3A_290, %dma_wait3A_291, %dma_wait3A_292] : memref<5x128x128xf32, #tpu.memory_space<vmem>> -> memref<1x128x128xf32, #tpu.memory_space<vmem>>
      %dma_wait3A_294 = tpu.memref_squeeze %dma_wait3A_293 : memref<1x128x128xf32, #tpu.memory_space<vmem>> -> memref<128x128xf32, #tpu.memory_space<vmem>>
      %dma_wait3A_295 = arith.constant 0 : i32
      %dma_wait3A_296 = tpu.memref_slice %arg5[%add3A_289, %dma_wait3A_295] : memref<50x128xi32, #tpu.memory_space<vmem>> -> memref<1x128xi32, #tpu.memory_space<vmem>>
      %dma_wait3A_297 = tpu.memref_squeeze %dma_wait3A_296 : memref<1x128xi32, #tpu.memory_space<vmem>> -> memref<128xi32, #tpu.memory_space<vmem>>
      %dma_wait3A_298 = arith.constant 0 : i32
      %dma_wait3A_299 = arith.constant 0 : i32
      %dma_wait3A_300 = tpu.memref_slice %arg3[%dma_wait3A_298, %dma_wait3A_299] : memref<1000000x128xf32, #tpu.memory_space<hbm>> -> memref<1000000x128xf32, #tpu.memory_space<hbm>>
      tpu.wait_indirect_dma semaphore(%arg11 : memref<!tpu.dma_semaphore, #tpu.memory_space<semaphore_mem>>) src(%dma_wait3A_300 : memref<1000000x128xf32, #tpu.memory_space<hbm>>) dst(%dma_wait3A_294 : memref<128x128xf32, #tpu.memory_space<vmem>>)
      %mul3A_301 = arith.constant 128 : i32
      %mul3A_302 = arith.muli %add3A_289, %mul3A_301 : i32
      %add3A_303 = arith.addi %mul3A_2, %mul3A_302 : i32
      %dma_start3A_304 = arith.constant 4 : i32
      %dma_start3A_305 = arith.constant 0 : i32
      %dma_start3A_306 = arith.constant 0 : i32
      %dma_start3A_307 = tpu.memref_slice %arg6[%dma_start3A_304, %dma_start3A_305, %dma_start3A_306] : memref<5x128x128xf32, #tpu.memory_space<vmem>> -> memref<1x128x64xf32, #tpu.memory_space<vmem>>
      %dma_start3A_308 = tpu.memref_squeeze %dma_start3A_307 : memref<1x128x64xf32, #tpu.memory_space<vmem>> -> memref<128x64xf32, #tpu.memory_space<vmem>>
      %dma_start3A_309 = arith.constant 0 : i32
      %dma_start3A_310 = tpu.memref_slice %arg4[%add3A_303, %dma_start3A_309] : memref<204800x128xf32, #tpu.memory_space<hbm>> -> memref<128x64xf32, #tpu.memory_space<hbm>>
      %dma_start3A_311 = arith.constant 0 : i32
      %dma_start3A_312 = tpu.memref_slice %arg4[%add3A_303, %dma_start3A_311] : memref<204800x128xf32, #tpu.memory_space<hbm>> -> memref<128x64xf32, #tpu.memory_space<hbm>>
      %dma_start3A_313 = arith.constant 0 : i32
      %dma_start3A_314 = arith.constant 0 : i32
      %dma_start3A_315 = tpu.memref_slice %arg6[%dma_start3A_304, %dma_start3A_313, %dma_start3A_314] : memref<5x128x128xf32, #tpu.memory_space<vmem>> -> memref<1x128x64xf32, #tpu.memory_space<vmem>>
      %dma_start3A_316 = tpu.memref_squeeze %dma_start3A_315 : memref<1x128x64xf32, #tpu.memory_space<vmem>> -> memref<128x64xf32, #tpu.memory_space<vmem>>
      tpu.enqueue_dma source(%dma_start3A_316 : memref<128x64xf32, #tpu.memory_space<vmem>>) target(%dma_start3A_312 : memref<128x64xf32, #tpu.memory_space<hbm>>) target_semaphore(%arg16 : memref<!tpu.dma_semaphore, #tpu.memory_space<semaphore_mem>>)
      %lt3A_317 = arith.constant 9 : i32
      %lt3A_318 = arith.cmpi slt, %scan3A_140, %lt3A_317 : i32
      %convert_element_type3A_319 = arith.extui %lt3A_318 : i1 to i32
      %cond3A_320 = arith.constant 4 : i32
      %cond3A_321 = arith.constant 0 : i32
      %cond3A_322 = arith.cmpi ne, %convert_element_type3A_319, %cond3A_321 : i32
      scf.if %cond3A_322 {
        %dma_wait3A_323 = arith.constant 0 : i32
        %dma_wait3A_324 = arith.constant 0 : i32
        %dma_wait3A_325 = tpu.memref_slice %arg6[%cond3A_320, %dma_wait3A_323, %dma_wait3A_324] : memref<5x128x128xf32, #tpu.memory_space<vmem>> -> memref<1x128x64xf32, #tpu.memory_space<vmem>>
        %dma_wait3A_326 = tpu.memref_squeeze %dma_wait3A_325 : memref<1x128x64xf32, #tpu.memory_space<vmem>> -> memref<128x64xf32, #tpu.memory_space<vmem>>
        %dma_wait3A_327 = arith.constant 0 : i32
        %dma_wait3A_328 = tpu.memref_slice %arg4[%add3A_303, %dma_wait3A_327] : memref<204800x128xf32, #tpu.memory_space<hbm>> -> memref<128x64xf32, #tpu.memory_space<hbm>>
        %dma_wait3A_329 = arith.constant 0 : i32
        %dma_wait3A_330 = tpu.memref_slice %arg4[%add3A_303, %dma_wait3A_329] : memref<204800x128xf32, #tpu.memory_space<hbm>> -> memref<128x64xf32, #tpu.memory_space<hbm>>
        %dma_wait3A_331 = arith.constant 0 : i32
        %dma_wait3A_332 = arith.constant 0 : i32
        %dma_wait3A_333 = tpu.memref_slice %arg6[%cond3A_320, %dma_wait3A_331, %dma_wait3A_332] : memref<5x128x128xf32, #tpu.memory_space<vmem>> -> memref<1x128x64xf32, #tpu.memory_space<vmem>>
        %dma_wait3A_334 = tpu.memref_squeeze %dma_wait3A_333 : memref<1x128x64xf32, #tpu.memory_space<vmem>> -> memref<128x64xf32, #tpu.memory_space<vmem>>
        tpu.wait_dma2 semaphore(%arg16 : memref<!tpu.dma_semaphore, #tpu.memory_space<semaphore_mem>>) src(%dma_wait3A_334 : memref<128x64xf32, #tpu.memory_space<vmem>>) dst(%dma_wait3A_330 : memref<128x64xf32, #tpu.memory_space<hbm>>)
        %add3A_335 = arith.constant 5 : i32
        %add3A_336 = arith.addi %add3A_289, %add3A_335 : i32
        %dma_start3A_337 = arith.constant 4 : i32
        %dma_start3A_338 = arith.constant 0 : i32
        %dma_start3A_339 = arith.constant 0 : i32
        %dma_start3A_340 = tpu.memref_slice %arg6[%dma_start3A_337, %dma_start3A_338, %dma_start3A_339] : memref<5x128x128xf32, #tpu.memory_space<vmem>> -> memref<1x128x128xf32, #tpu.memory_space<vmem>>
        %dma_start3A_341 = tpu.memref_squeeze %dma_start3A_340 : memref<1x128x128xf32, #tpu.memory_space<vmem>> -> memref<128x128xf32, #tpu.memory_space<vmem>>
        %dma_start3A_342 = arith.constant 0 : i32
        %dma_start3A_343 = tpu.memref_slice %arg5[%add3A_336, %dma_start3A_342] : memref<50x128xi32, #tpu.memory_space<vmem>> -> memref<1x128xi32, #tpu.memory_space<vmem>>
        %dma_start3A_344 = tpu.memref_squeeze %dma_start3A_343 : memref<1x128xi32, #tpu.memory_space<vmem>> -> memref<128xi32, #tpu.memory_space<vmem>>
        %dma_start3A_345 = arith.constant 0 : i32
        %dma_start3A_346 = arith.constant 0 : i32
        %dma_start3A_347 = tpu.memref_slice %arg3[%dma_start3A_345, %dma_start3A_346] : memref<1000000x128xf32, #tpu.memory_space<hbm>> -> memref<1000000x128xf32, #tpu.memory_space<hbm>>
        tpu.enqueue_indirect_dma source(%dma_start3A_347 : memref<1000000x128xf32, #tpu.memory_space<hbm>>) target(%dma_start3A_341 : memref<128x128xf32, #tpu.memory_space<vmem>>) offsets(%dma_start3A_344 : memref<128xi32, #tpu.memory_space<vmem>>) semaphore(%arg11 : memref<!tpu.dma_semaphore, #tpu.memory_space<semaphore_mem>>)
      } else {
      }
    }
    %scan3A_65 = arith.constant 10 : i32
    %add3A_66 = arith.constant 5760 : i32
    %add3A_67 = arith.addi %mul3A_2, %add3A_66 : i32
    %dma_wait3A = arith.constant 0 : i32
    %dma_wait3A_68 = arith.constant 0 : i32
    %dma_wait3A_69 = arith.constant 0 : i32
    %dma_wait3A_70 = tpu.memref_slice %arg6[%dma_wait3A, %dma_wait3A_68, %dma_wait3A_69] : memref<5x128x128xf32, #tpu.memory_space<vmem>> -> memref<1x128x64xf32, #tpu.memory_space<vmem>>
    %dma_wait3A_71 = tpu.memref_squeeze %dma_wait3A_70 : memref<1x128x64xf32, #tpu.memory_space<vmem>> -> memref<128x64xf32, #tpu.memory_space<vmem>>
    %dma_wait3A_72 = arith.constant 0 : i32
    %dma_wait3A_73 = tpu.memref_slice %arg4[%add3A_67, %dma_wait3A_72] : memref<204800x128xf32, #tpu.memory_space<hbm>> -> memref<128x64xf32, #tpu.memory_space<hbm>>
    %dma_wait3A_74 = arith.constant 0 : i32
    %dma_wait3A_75 = tpu.memref_slice %arg4[%add3A_67, %dma_wait3A_74] : memref<204800x128xf32, #tpu.memory_space<hbm>> -> memref<128x64xf32, #tpu.memory_space<hbm>>
    %dma_wait3A_76 = arith.constant 0 : i32
    %dma_wait3A_77 = arith.constant 0 : i32
    %dma_wait3A_78 = tpu.memref_slice %arg6[%dma_wait3A, %dma_wait3A_76, %dma_wait3A_77] : memref<5x128x128xf32, #tpu.memory_space<vmem>> -> memref<1x128x64xf32, #tpu.memory_space<vmem>>
    %dma_wait3A_79 = tpu.memref_squeeze %dma_wait3A_78 : memref<1x128x64xf32, #tpu.memory_space<vmem>> -> memref<128x64xf32, #tpu.memory_space<vmem>>
    tpu.wait_dma2 semaphore(%arg12 : memref<!tpu.dma_semaphore, #tpu.memory_space<semaphore_mem>>) src(%dma_wait3A_79 : memref<128x64xf32, #tpu.memory_space<vmem>>) dst(%dma_wait3A_75 : memref<128x64xf32, #tpu.memory_space<hbm>>)
    %add3A_80 = arith.constant 5888 : i32
    %add3A_81 = arith.addi %mul3A_2, %add3A_80 : i32
    %dma_wait3A_82 = arith.constant 1 : i32
    %dma_wait3A_83 = arith.constant 0 : i32
    %dma_wait3A_84 = arith.constant 0 : i32
    %dma_wait3A_85 = tpu.memref_slice %arg6[%dma_wait3A_82, %dma_wait3A_83, %dma_wait3A_84] : memref<5x128x128xf32, #tpu.memory_space<vmem>> -> memref<1x128x64xf32, #tpu.memory_space<vmem>>
    %dma_wait3A_86 = tpu.memref_squeeze %dma_wait3A_85 : memref<1x128x64xf32, #tpu.memory_space<vmem>> -> memref<128x64xf32, #tpu.memory_space<vmem>>
    %dma_wait3A_87 = arith.constant 0 : i32
    %dma_wait3A_88 = tpu.memref_slice %arg4[%add3A_81, %dma_wait3A_87] : memref<204800x128xf32, #tpu.memory_space<hbm>> -> memref<128x64xf32, #tpu.memory_space<hbm>>
    %dma_wait3A_89 = arith.constant 0 : i32
    %dma_wait3A_90 = tpu.memref_slice %arg4[%add3A_81, %dma_wait3A_89] : memref<204800x128xf32, #tpu.memory_space<hbm>> -> memref<128x64xf32, #tpu.memory_space<hbm>>
    %dma_wait3A_91 = arith.constant 0 : i32
    %dma_wait3A_92 = arith.constant 0 : i32
    %dma_wait3A_93 = tpu.memref_slice %arg6[%dma_wait3A_82, %dma_wait3A_91, %dma_wait3A_92] : memref<5x128x128xf32, #tpu.memory_space<vmem>> -> memref<1x128x64xf32, #tpu.memory_space<vmem>>
    %dma_wait3A_94 = tpu.memref_squeeze %dma_wait3A_93 : memref<1x128x64xf32, #tpu.memory_space<vmem>> -> memref<128x64xf32, #tpu.memory_space<vmem>>
    tpu.wait_dma2 semaphore(%arg13 : memref<!tpu.dma_semaphore, #tpu.memory_space<semaphore_mem>>) src(%dma_wait3A_94 : memref<128x64xf32, #tpu.memory_space<vmem>>) dst(%dma_wait3A_90 : memref<128x64xf32, #tpu.memory_space<hbm>>)
    %add3A_95 = arith.constant 6016 : i32
    %add3A_96 = arith.addi %mul3A_2, %add3A_95 : i32
    %dma_wait3A_97 = arith.constant 2 : i32
    %dma_wait3A_98 = arith.constant 0 : i32
    %dma_wait3A_99 = arith.constant 0 : i32
    %dma_wait3A_100 = tpu.memref_slice %arg6[%dma_wait3A_97, %dma_wait3A_98, %dma_wait3A_99] : memref<5x128x128xf32, #tpu.memory_space<vmem>> -> memref<1x128x64xf32, #tpu.memory_space<vmem>>
    %dma_wait3A_101 = tpu.memref_squeeze %dma_wait3A_100 : memref<1x128x64xf32, #tpu.memory_space<vmem>> -> memref<128x64xf32, #tpu.memory_space<vmem>>
    %dma_wait3A_102 = arith.constant 0 : i32
    %dma_wait3A_103 = tpu.memref_slice %arg4[%add3A_96, %dma_wait3A_102] : memref<204800x128xf32, #tpu.memory_space<hbm>> -> memref<128x64xf32, #tpu.memory_space<hbm>>
    %dma_wait3A_104 = arith.constant 0 : i32
    %dma_wait3A_105 = tpu.memref_slice %arg4[%add3A_96, %dma_wait3A_104] : memref<204800x128xf32, #tpu.memory_space<hbm>> -> memref<128x64xf32, #tpu.memory_space<hbm>>
    %dma_wait3A_106 = arith.constant 0 : i32
    %dma_wait3A_107 = arith.constant 0 : i32
    %dma_wait3A_108 = tpu.memref_slice %arg6[%dma_wait3A_97, %dma_wait3A_106, %dma_wait3A_107] : memref<5x128x128xf32, #tpu.memory_space<vmem>> -> memref<1x128x64xf32, #tpu.memory_space<vmem>>
    %dma_wait3A_109 = tpu.memref_squeeze %dma_wait3A_108 : memref<1x128x64xf32, #tpu.memory_space<vmem>> -> memref<128x64xf32, #tpu.memory_space<vmem>>
    tpu.wait_dma2 semaphore(%arg14 : memref<!tpu.dma_semaphore, #tpu.memory_space<semaphore_mem>>) src(%dma_wait3A_109 : memref<128x64xf32, #tpu.memory_space<vmem>>) dst(%dma_wait3A_105 : memref<128x64xf32, #tpu.memory_space<hbm>>)
    %add3A_110 = arith.constant 6144 : i32
    %add3A_111 = arith.addi %mul3A_2, %add3A_110 : i32
    %dma_wait3A_112 = arith.constant 3 : i32
    %dma_wait3A_113 = arith.constant 0 : i32
    %dma_wait3A_114 = arith.constant 0 : i32
    %dma_wait3A_115 = tpu.memref_slice %arg6[%dma_wait3A_112, %dma_wait3A_113, %dma_wait3A_114] : memref<5x128x128xf32, #tpu.memory_space<vmem>> -> memref<1x128x64xf32, #tpu.memory_space<vmem>>
    %dma_wait3A_116 = tpu.memref_squeeze %dma_wait3A_115 : memref<1x128x64xf32, #tpu.memory_space<vmem>> -> memref<128x64xf32, #tpu.memory_space<vmem>>
    %dma_wait3A_117 = arith.constant 0 : i32
    %dma_wait3A_118 = tpu.memref_slice %arg4[%add3A_111, %dma_wait3A_117] : memref<204800x128xf32, #tpu.memory_space<hbm>> -> memref<128x64xf32, #tpu.memory_space<hbm>>
    %dma_wait3A_119 = arith.constant 0 : i32
    %dma_wait3A_120 = tpu.memref_slice %arg4[%add3A_111, %dma_wait3A_119] : memref<204800x128xf32, #tpu.memory_space<hbm>> -> memref<128x64xf32, #tpu.memory_space<hbm>>
    %dma_wait3A_121 = arith.constant 0 : i32
    %dma_wait3A_122 = arith.constant 0 : i32
    %dma_wait3A_123 = tpu.memref_slice %arg6[%dma_wait3A_112, %dma_wait3A_121, %dma_wait3A_122] : memref<5x128x128xf32, #tpu.memory_space<vmem>> -> memref<1x128x64xf32, #tpu.memory_space<vmem>>
    %dma_wait3A_124 = tpu.memref_squeeze %dma_wait3A_123 : memref<1x128x64xf32, #tpu.memory_space<vmem>> -> memref<128x64xf32, #tpu.memory_space<vmem>>
    tpu.wait_dma2 semaphore(%arg15 : memref<!tpu.dma_semaphore, #tpu.memory_space<semaphore_mem>>) src(%dma_wait3A_124 : memref<128x64xf32, #tpu.memory_space<vmem>>) dst(%dma_wait3A_120 : memref<128x64xf32, #tpu.memory_space<hbm>>)
    %add3A_125 = arith.constant 6272 : i32
    %add3A_126 = arith.addi %mul3A_2, %add3A_125 : i32
    %dma_wait3A_127 = arith.constant 4 : i32
    %dma_wait3A_128 = arith.constant 0 : i32
    %dma_wait3A_129 = arith.constant 0 : i32
    %dma_wait3A_130 = tpu.memref_slice %arg6[%dma_wait3A_127, %dma_wait3A_128, %dma_wait3A_129] : memref<5x128x128xf32, #tpu.memory_space<vmem>> -> memref<1x128x64xf32, #tpu.memory_space<vmem>>
    %dma_wait3A_131 = tpu.memref_squeeze %dma_wait3A_130 : memref<1x128x64xf32, #tpu.memory_space<vmem>> -> memref<128x64xf32, #tpu.memory_space<vmem>>
    %dma_wait3A_132 = arith.constant 0 : i32
    %dma_wait3A_133 = tpu.memref_slice %arg4[%add3A_126, %dma_wait3A_132] : memref<204800x128xf32, #tpu.memory_space<hbm>> -> memref<128x64xf32, #tpu.memory_space<hbm>>
    %dma_wait3A_134 = arith.constant 0 : i32
    %dma_wait3A_135 = tpu.memref_slice %arg4[%add3A_126, %dma_wait3A_134] : memref<204800x128xf32, #tpu.memory_space<hbm>> -> memref<128x64xf32, #tpu.memory_space<hbm>>
    %dma_wait3A_136 = arith.constant 0 : i32
    %dma_wait3A_137 = arith.constant 0 : i32
    %dma_wait3A_138 = tpu.memref_slice %arg6[%dma_wait3A_127, %dma_wait3A_136, %dma_wait3A_137] : memref<5x128x128xf32, #tpu.memory_space<vmem>> -> memref<1x128x64xf32, #tpu.memory_space<vmem>>
    %dma_wait3A_139 = tpu.memref_squeeze %dma_wait3A_138 : memref<1x128x64xf32, #tpu.memory_space<vmem>> -> memref<128x64xf32, #tpu.memory_space<vmem>>
    tpu.wait_dma2 semaphore(%arg16 : memref<!tpu.dma_semaphore, #tpu.memory_space<semaphore_mem>>) src(%dma_wait3A_139 : memref<128x64xf32, #tpu.memory_space<vmem>>) dst(%dma_wait3A_135 : memref<128x64xf32, #tpu.memory_space<hbm>>)
    return
  }
}

</mosaic_0001>

<sc_bundles>
// kernel: _embedding_sc.3.cloned.1.call-start
scs
__scs_entry_jumppad:
0x0: {  	(pc) =	sbr.rel $0x88, $3  }
0x1: {  	(tag) =	ssettag $0x0;
	lr =	simm.s32 $0x1  }
0x2: {  	[smem:$0x3F9F] =	sst lr;
	_ =	strace $0xD0000000  }
0x3: {  	_ = 	snop  }
0x4: {  	_ = 	snop  }
0x5: {  	_ = 	snop  }
0x6: {  	_ = 	snop  }
0x7: {  	_ = 	snop  }
__scs_overlays_trampoline_lowered:
0x8: {  	[smem:$0x3FAE] =	sst s0  }
0x9: {  	[smem:$0x3FAF] =	sst s1  }
0xa: {  	[smem:$0x3FB0] =	sst s2  }
0xb: {  	[smem:$0x3FB1] =	sst s3  }
0xc: {  	[smem:$0x3FB2] =	sst s4  }
0xd: {  	[smem:$0x3FB3] =	sst s5  }
0xe: {  	[smem:$0x3FB4] =	sst s6  }
0xf: {  	[smem:$0x3FB5] =	sst s7  }
0x10: {  	[smem:$0x3FB6] =	sst s8  }
0x11: {  	[smem:$0x3FB7] =	sst s9;
	s0 =	simm.s32 @!p0 $0x0  }
0x12: {  	s1 =	sld [smem:$0x3F9D];
	s0 =	simm.s32 @p0 $0x1  }
0x13: {  	[smem:$0x3FB8] =	sst s0;
	s0 =	simm.s32 @!p1 $0x0  }
0x14: {  	s2 =	sld [smem:$0x3F9C];
	s0 =	simm.s32 @p1 $0x1  }
0x15: {  	[smem:$0x3FB9] =	sst s0;
	s0 =	simm.s32 @!p2 $0x0  }
0x16: {  	s3 =	sld [smem:$0x3FDB];
	s0 =	simm.s32 @p2 $0x1  }
0x17: {  	s4 =	simm.s32 $0x1BF5;
	[smem:$0x3FBB] =	sst s0  }
0x18: {  	s0 =	sld [smem:$0x3F9E];
	_ =	swait.ge [sflag:s4], $0x0  }
0x19: {  	s7 =	sld [smem:$0x3F9F]  }
0x1a: {  	s8 =	sadd.s32 $0xFFFFE003, lr  }
0x1b: {  	s9 =	sadd.s32 $0xFFFFFEF7, lr;
	s5 =	simm.s32 $0xFFFFFFFF;
	p2 =	slt.u32 s8, $0xFFFFF086  }
0x1c: {  	p1 =	slt.u32 s9, $0xF7A;
	s5 =	simm.s32 @!p2 $0x0  }
0x1d: {  	s5 =	simm.s32 @p1 $0x1;
	p0 =	seq.s32 s7, s2  }
0x1e: {  	s7 =	smul.u32 @!p0 $0xF7A, s2;
	p2 =	seq.s32 @!p0 s5, $0x0  }
0x1f: {  	s9 =	smul.u32 $0xF7A, s1;
	s8 =	simm.s32 @!p0 $0x1BF5;
	p2 =	por !p2, p0  }
0x20: {  	[sflag:s8] =	ssyncset.s32 @!p0 $0xFFFFF086;
	s6 =	sadd.s32 @!p0 s3, s7;
	s7 =	simm.s32 @!p0 $0x108  }
0x21: {  	s3 =	sadd.s32 s3, s9;
	s6 =	sadd.s32 @!p0 $0x88, s6;
	s7 =	simm.s32 @p2 $0x1082  }
0x22: {  	[simem:s7], [sflag:s8] =	dma.local @!p0 [hbm:s6], $0xF7A  }
0x23: {  	s9 =	sor.u32 $0xD0000000, s2;
	s6 =	simm.s32 $0x108;
	_ =	swait.ge @!p0 [sflag:s8], $0x0  }
0x24: {  	s3 =	sadd.s32 $0x88, s3;
	s6 =	simm.s32 @!p1 $0x1082;
	[sflag:s4] =	ssyncset.s32 $0xFFFFF086  }
0x25: {  	[simem:s6], [sflag:s4] =	dma.local [hbm:s3], $0xF7A  }
0x26: {  	[smem:$0x3F9F] =	sst s1;
	(tag) =	ssettag s2;
	_ =	strace s9  }
0x27: {  	s1 =	sld [smem:$0x3FAF]  }
0x28: {  	s2 =	sld [smem:$0x3FB0]  }
0x29: {  	s4 =	sld [smem:$0x3FB2]  }
0x2a: {  	p0 =	seq.s32 s5, $0x0;
	s5 =	sld [smem:$0x3FB3]  }
0x2b: {  	s6 =	sld [smem:$0x3FB4]  }
0x2c: {  	s7 =	sld [smem:$0x3FB5]  }
0x2d: {  	s3 =	simm.s32 $0x108;
	s8 =	sld [smem:$0x3FB6]  }
0x2e: {  	s3 =	simm.s32 @!p0 $0x1082;
	s9 =	sld [smem:$0x3FB7]  }
0x2f: {  	lr =	sadd.s32 s0, s3;
	s0 =	sld [smem:$0x3FAE]  }
0x30: {  	s3 =	sld [smem:$0x3FB1]  }
0x31: {  	[smem:$0x3FBA] =	sst s10  }
0x32: {  	s10 =	sld [smem:$0x3FB8];
	_ =	sdelay $0x3  }
0x33: {  	p0 =	seq.s32 s10, $0x1;
	s10 =	sld [smem:$0x3FBA];
	_ =	sdelay $0x3  }
0x34: {  	[smem:$0x3FBA] =	sst s10  }
0x35: {  	s10 =	sld [smem:$0x3FB9];
	_ =	sdelay $0x3  }
0x36: {  	p1 =	seq.s32 s10, $0x1;
	s10 =	sld [smem:$0x3FBA];
	_ =	sdelay $0x3  }
0x37: {  	[smem:$0x3FBA] =	sst s10  }
0x38: {  	s10 =	sld [smem:$0x3FBB]  }
0x39: {  	_ = 	snop;
	(pc) =	sbr.ind lr, $3  }
0x3a: {  	_ = 	snop  }
0x3b: {  	_ = 	snop  }
0x3c: {  	p2 =	seq.s32 s10, $0x1;
	s10 =	sld [smem:$0x3FBA]  }
0x3d: {  	_ =	shalt  }
0x3e: {  	_ =	shalt  }
0x3f: {  	_ =	shalt  }
0x40: {  	_ =	shalt  }
0x41: {  	_ =	shalt  }
0x42: {  	_ =	shalt  }
0x43: {  	_ =	shalt  }
0x44: {  	_ =	shalt  }
0x45: {  	_ =	shalt  }
0x46: {  	_ =	shalt  }
0x47: {  	_ =	shalt  }
0x48: {  	_ =	shalt  }
0x49: {  	_ =	shalt  }
0x4a: {  	_ =	shalt  }
0x4b: {  	_ =	shalt  }
0x4c: {  	_ =	shalt  }
0x4d: {  	_ =	shalt  }
0x4e: {  	_ =	shalt  }
0x4f: {  	_ =	shalt  }
0x50: {  	_ =	shalt  }
0x51: {  	_ =	shalt  }
0x52: {  	_ =	shalt  }
0x53: {  	_ =	shalt  }
0x54: {  	_ =	shalt  }
0x55: {  	_ =	shalt  }
0x56: {  	_ =	shalt  }
0x57: {  	_ =	shalt  }
0x58: {  	_ =	shalt  }
0x59: {  	_ =	shalt  }
0x5a: {  	_ =	shalt  }
0x5b: {  	_ =	shalt  }
0x5c: {  	_ =	shalt  }
0x5d: {  	_ =	shalt  }
0x5e: {  	_ =	shalt  }
0x5f: {  	_ =	shalt  }
0x60: {  	_ =	shalt  }
0x61: {  	_ =	shalt  }
0x62: {  	_ =	shalt  }
0x63: {  	_ =	shalt  }
0x64: {  	_ =	shalt  }
0x65: {  	_ =	shalt  }
0x66: {  	_ =	shalt  }
0x67: {  	_ =	shalt  }
0x68: {  	_ =	shalt  }
0x69: {  	_ =	shalt  }
0x6a: {  	_ =	shalt  }
0x6b: {  	_ =	shalt  }
0x6c: {  	_ =	shalt  }
0x6d: {  	_ =	shalt  }
0x6e: {  	_ =	shalt  }
0x6f: {  	_ =	shalt  }
0x70: {  	_ =	shalt  }
0x71: {  	_ =	shalt  }
0x72: {  	_ =	shalt  }
0x73: {  	_ =	shalt  }
0x74: {  	_ =	shalt  }
0x75: {  	_ =	shalt  }
0x76: {  	_ =	shalt  }
0x77: {  	_ =	shalt  }
0x78: {  	_ =	shalt  }
0x79: {  	_ =	shalt  }
0x7a: {  	_ =	shalt  }
0x7b: {  	_ =	shalt  }
0x7c: {  	_ =	shalt  }
0x7d: {  	_ =	shalt  }
0x7e: {  	_ =	shalt  }
0x7f: {  	_ =	shalt  }
0x80: {  	_ =	shalt  }
0x81: {  	_ =	shalt  }
0x82: {  	_ =	shalt  }
0x83: {  	_ =	shalt  }
0x84: {  	_ =	shalt  }
0x85: {  	_ =	shalt  }
0x86: {  	_ =	shalt  }
0x87: {  	_ =	shalt  }
.Lfunc_end0:
.L_simem_size_0:
called_computation_lowered:
.L_overlay_start_0:
0x88: {  	s2 =	sld [smem:$0x3FD9]  }
0x89: {  	s3 =	sld [smem:$0x3FFE];
	_ =	sdelay $0x1  }
0x8a: {  	s1 =	srdreg.scid  }
0x8b: {  	s0 =	sand.u32 $0x1, s1  }
0x8c: {  	s17 =	sshll.u32 s0, $0xA;
	s2 =	sadd.s32 s3, s2  }
0x8d: {  	s2 =	sadd.s32 s2, s17  }
0x8e: {  	[smem:$0x3FC6] =	sst s2  }
0x8f: {  	_ = 	snop  }
0x90: {  	s2 =	sld [smem:$0x3FC8]  }
0x91: {  	s18 =	sld [smem:$0x3FD0];
	(tm) =	ssettm $0x1  }
0x92: {  	s4 =	sld [smem:$0x3FFB];
	_ =	sdelay $0x3  }
0x93: {  	_ =	strace s4  }
0x94: {  	s4 =	sld [smem:$0x3FFC];
	_ =	sdelay $0x3  }
0x95: {  	_ =	strace s4  }
0x96: {  	s4 =	sld [smem:$0x3FFD];
	_ =	sdelay $0x3  }
0x97: {  	_ =	strace s4  }
0x98: {  	_ =	strace $0x8FFFFFFF  }
0x99: {  	s19 =	sld [smem:$0x3FDB];
	_ =	sdelay $0x1  }
0x9a: {  	s5 =	simm.s32 $_scs_section_size  }
0x9b: {  	s6 =	simm.s32 $_size__tile_overlayer_lowered;
	s7 =	simm.s32 $_tile_overlayer_lowered  }
0x9c: {  	s22 =	simm.s32 $0x1BFF;
	s21 =	sshll.u32 s7, $0x1;
	s4 =	sadd.s32 s5, s19  }
0x9d: {  	s8 =	simm.s32 $0x0;
	s20 =	sshll.u32 s6, $0x1;
	s6 =	sadd.s32 s21, s4  }
0x9e: {  	[timem:s8], [sflag:s22] =	dma.local [hbm:s6], s20  }
0x9f: {  	_ =	swait.ge [sflag:s22], s20  }
0xa0: {  	s5 =	ssub.s32 $0x0, s20;
	[sflag:s22] =	ssyncset.done $0x0  }
0xa1: {  	[sflag:s22] =	ssyncadd.s32 s5;
	_ =	sdelay $0x1  }
0xa2: {  	s23 =	simm.s32 $0x1B8B  }
0xa3: {  	_ =	swait.ge [sflag:s23], $0x1  }
0xa4: {  	[sflag:s23] =	ssyncset.done $0x0  }
0xa5: {  	s25 =	simm.s32 $0x1B8E;
	s24 =	sld [smem:$0x3FFE];
	[sflag:s23] =	ssyncadd.s32 $0xFFFFFFFF  }
0xa6: {  	s26 =	simm.s32 $execute0_lowered;
	[smem:$0x3FD2] =	sst s25  }
0xa7: {  	s6 =	sshll.u32 s26, $0x1;
	_ =	strace $0x80000046;
	[dreg:$0x1] =	wrdreg $0xFFFFFFFF  }
0xa8: {  	s28 =	simm.s32 $_size_execute0_lowered;
	s4 =	sadd.s32 s4, s6;
	[dreg:$0x0] =	wrdreg $0x0  }
0xa9: {  	s6 =	sshll.u32 s28, $0x1;
	[dreg:$0x2] =	wrdreg s4  }
0xaa: {  	[dreg:$0x3] =	wrdreg s6  }
0xab: {  	[dreg:$0x4] =	wrdreg $0xC0  }
0xac: {  	_ =	task [dreg:s8], $0x5FFFF  }
0xad: {  	[dreg:$0x1] =	wrdreg $0xFFFFFFFF  }
0xae: {  	[dreg:$0x0] =	wrdreg $0x60  }
0xaf: {  	[dreg:$0x2] =	wrdreg s24  }
0xb0: {  	[dreg:$0x3] =	wrdreg s2  }
0xb1: {  	[dreg:$0x4] =	wrdreg s18  }
0xb2: {  	[dreg:$0x5] =	wrdreg $0x9  }
0xb3: {  	_ =	task.clear_ibuf [dreg:s8], $0x6FFFF;
	_ =	strace $0x90000046  }
0xb4: {  	s29 =	simm.s32 $0x9;
	_ =	strace $0x80000048  }
0xb5: {  	_ =	swait.ge [sflag:s29], $0x1  }
0xb6: {  	[sflag:s29] =	ssyncadd.s32 $0xFFFFFFFF  }
0xb7: {  	_ =	strace $0x90000048  }
0xb8: {  	_ =	sfence  }
0xb9: {  	s30 =	sld [smem:$0x0];
	_ =	sdelay $0x2  }
0xba: {  	s31 =	sshll.u32 s1, $0xD;
	s1 =	sshrl.u32 s1, $0x2  }
0xbb: {  	s3 =	sand.u32 $0x4000, s31;
	s1 =	sadd.s32 s1, s30  }
0xbc: {  	s0 =	sor.u32 s3, s0;
	s1 =	sshll.u32 s1, $0x11  }
0xbd: {  	s0 =	sor.u32 s1, s0  }
0xbe: {  	s0 =	sadd.s32 $0x8F2B, s0  }
0xbf: {  	[sflag:s0] =	ssyncadd.remote.s32 $0x1  }
0xc0: {  	_ =	sfence.sel $0xFFFF  }
0xc1: {  	[dreg:$0x0] =	wrdreg $0xFFFFFFFF;
	(pc) =	sbr.abs _section_cstart, $3  }
0xc2: {  	[dreg:$0x1] =	wrdreg $0xFFFFFFFF  }
0xc3: {  	_ =	task.clear_ibuf [dreg:s8], $0x2FFFF;
	_ =	strace $0x9FFFFFFF  }
0xc4: {  	(tm) =	ssettm $0x7FFFFFFF  }
0xc5: {  	_ =	shalt  }
tec
execute0_lowered:
.L_overlay_start_1:
0x0: {  	(tag) =	ssettag $0x1  }
0x1: {  	s0 =	srdreg.scid  }
0x2: {  	s2 =	stileid.u32;
	s1 =	rddreg [dreg:$0x0]  }
0x3: {  	s5 =	simm.s32 $0x0;
	s12 =	simm.s32 $0xB;
	s13 =	simm.s32 $0x80  }
0x4: {  	s21 =	simm.s32 $0x11900;
	s22 =	simm.s32 $0x1;
	s23 =	simm.s32 $0x2  }
0x5: {  	s24 =	simm.s32 $0x3;
	s25 =	simm.s32 $0x4;
	s26 =	simm.s32 $0x5  }
0x6: {  	s28 =	simm.s32 $0x6;
	s29 =	simm.s32 $0x7;
	s30 =	simm.s32 $0x8  }
0x7: {  	s0 =	sand.u32 $0x1, s0;
	s3 =	sshll.u32 s2, $0x1;
	s2 =	rddreg [dreg:$0x1]  }
0x8: {  	s31 =	simm.s32 $0x9;
	[smem:$0x7FF] =	sst s5;
	s4 =	sor.u32 s0, s3  }
0x9: {  	s3 =	rddreg [dreg:$0x2];
	s0 =	ssub.s32 $0x2, s0;
	s4 =	smul.u32 $0x1900, s4  }
.Ltmp0:
0xa: {  	_ =	strace $0x80000047;
	s7 =	sshrl.u32 s0, $0x1;
	(pc) =	sbr.rel .LBB2_1-.Ltmp0, $4  }
0xb: {  	s0 =	ssub.s32 s0, s7;
	s6 =	sshrl.u32 s4, $0x3;
	s7 =	sor.u32 $0x80, s4  }
0xc: {  	s8 =	sadd.s32 $0x100, s4;
	s9 =	sadd.s32 $0x180, s4;
	s1 =	sadd.s32 s6, s1  }
0xd: {  	s10 =	sadd.s32 $0x200, s4;
	s11 =	smax.u32 s0, $0x1;
	s1 =	sadd.s32 $0x400, s1  }
0xe: {  	s0 =	simm.s32 $0x0;
	[dreg:$0x4] =	wrdreg s1;
	s1 =	simm.s32 $0xA  }
.LBB2_14:
0xf: {  	_ =	swait.ge [sflag:s28], $0x2000  }
0x10: {  	[sflag:s28] =	ssyncset.done $0x0  }
0x11: {  	[sflag:s28] =	ssyncadd.s32 $0xFFFFE000  }
0x12: {  	_ =	swait.ge [sflag:s29], $0x2000  }
0x13: {  	[sflag:s29] =	ssyncset.done $0x0  }
0x14: {  	[sflag:s29] =	ssyncadd.s32 $0xFFFFE000  }
0x15: {  	_ =	swait.ge [sflag:s30], $0x2000  }
0x16: {  	[sflag:s30] =	ssyncset.done $0x0  }
0x17: {  	s0 =	sadd.s32 $0x1, s0;
	[sflag:s30] =	ssyncadd.s32 $0xFFFFE000  }
0x18: {  	p0 =	sne.s32 s0, s11;
	_ =	swait.ge [sflag:s31], $0x2000  }
.Ltmp1:
0x19: {  	[sflag:s31] =	ssyncset.done $0x0;
	(pc) =	sbr.rel @!p0 .LBB2_15-.Ltmp1, $4  }
0x1a: {  	[sflag:s31] =	ssyncadd.s32 $0xFFFFE000  }
0x1b: {  	_ =	swait.ge [sflag:s1], $0x2000  }
0x1c: {  	[sflag:s1] =	ssyncset.done $0x0  }
0x1d: {  	[sflag:s1] =	ssyncadd.s32 $0xFFFFE000  }
.LBB2_1:
0x1e: {  	s6 =	rddreg [dreg:$0x4]  }
0x1f: {  	[tilespmem:s5], [sflag:$0xB] =	stream.linear.gather [hbm4b:s6+s5], $0x1900, $0x38;
	[tilespmem:$0x15900] =	vst v63  }
0x20: {  	_ =	swait.ge [sflag:s12], $0x1900  }
0x21: {  	[sflag:s12] =	ssyncset.done $0x0  }
0x22: {  	s15 =	simm.s32 $0x1900;
	[sflag:s12] =	ssyncadd.s32 $0xFFFFE700  }
0x23: {  	[tilespmem:s15], [sflag:$0x1] =	stream.indirect.gather [hbm4b:s2+s13], $0x80, s5, s13, $0xb8;
	[tilespmem:$0x15900] =	vst v63  }
0x24: {  	s16 =	simm.s32 $0x5900  }
0x25: {  	[tilespmem:s16], [sflag:$0x2] =	stream.indirect.gather [hbm4b:s2+s13], $0x80, s13, s13, $0xb8;
	[tilespmem:$0x15900] =	vst v63  }
0x26: {  	s17 =	simm.s32 $0x100;
	s14 =	simm.s32 $0x9900  }
0x27: {  	[tilespmem:s14], [sflag:$0x3] =	stream.indirect.gather [hbm4b:s2+s13], $0x80, s17, s13, $0xb8;
	[tilespmem:$0x15900] =	vst v63  }
0x28: {  	s18 =	simm.s32 $0x180;
	s19 =	simm.s32 $0xD900  }
0x29: {  	[tilespmem:s19], [sflag:$0x4] =	stream.indirect.gather [hbm4b:s2+s13], $0x80, s18, s13, $0xb8;
	[tilespmem:$0x15900] =	vst v63  }
0x2a: {  	s20 =	simm.s32 $0x200;
	s14 =	simm.s32 $0x0  }
0x2b: {  	[tilespmem:s21], [sflag:$0x5] =	stream.indirect.gather [hbm4b:s2+s13], $0x80, s20, s13, $0xb8;
	[tilespmem:$0x15900] =	vst v63  }
.LBB2_2:
0x2c: {  	s15 =	smul.u32 $0x280, s14;
	_ =	sdelay $0x1  }
0x2d: {  	s6 =	sadd.s32 s4, s15  }
0x2e: {  	_ =	swait.ge [sflag:s22], $0x4000;
	s17 =	simm.s32 $0x1900;
	s6 =	sshll.u32 s6, $0x4  }
0x2f: {  	s18 =	simm.s32 $0x10;
	[sflag:s22] =	ssyncset.done $0x0;
	s16 =	sadd.s32 s3, s6  }
0x30: {  	s19 =	simm.s32 $0x1980;
	[sflag:s22] =	ssyncadd.s32 $0xFFFFC000;
	s20 =	sadd.s32 $0x0, s16  }
.LBB2_3:
0x31: {  	[hbm4b:s20+s5] =	stream.linear.scatter [tilespmem:s17], [sflag:$0x6], $0x40, $0x38;
	[tilespmem:$0x15900] =	vst v63  }
0x32: {  	s6 =	smov.u32 s18;
	s17 =	smov.u32 s19;
	p0 =	sne.s32 s18, $0x7F0  }
.Ltmp2:
0x33: {  	s18 =	sadd.s32 $0x10, s18;
	(pc) =	sbr.rel @p0 .LBB2_3-.Ltmp2, $2  }
0x34: {  	_ =	sdelay $0x2  }
0x35: {  	s19 =	sadd.s32 $0x80, s19;
	s20 =	sadd.s32 s6, s16  }
0x36: {  	[hbm4b:s20+s5] =	stream.linear.scatter [tilespmem:s17], [sflag:$0x6], $0x40, $0x38;
	[tilespmem:$0x15900] =	vst v63  }
0x37: {  	p0 =	seq.s32 s14, $0x9  }
0x38: {  	s6 =	simm.s32 @!p0 $0x6;
	s16 =	smul.u32 @!p0 $0xA00, s14  }
0x39: {  	s20 =	sadd.s32 s15, s7;
	_ =	swait.ge @!p0 [sflag:s6], $0x2000  }
0x3a: {  	s17 =	simm.s32 @!p0 $0x80;
	[sflag:s6] =	ssyncset.done @!p0 $0x0;
	s16 =	sshra.s32 @!p0 s16, $0x2  }
0x3b: {  	s18 =	simm.s32 @!p0 $0x1900;
	[sflag:s6] =	ssyncadd.s32 @!p0 $0xFFFFE000;
	s6 =	sadd.s32 @!p0 $0x280, s16  }
0x3c: {  	[tilespmem:s18], [sflag:$0x1] =	stream.indirect.gather @!p0 [hbm4b:s2+s17], $0x80, s6, s17, $0xb8;
	[tilespmem:$0x15900] =	vst v63  }
0x3d: {  	s6 =	sshll.u32 s20, $0x4  }
0x3e: {  	s19 =	simm.s32 $0x10;
	_ =	swait.ge [sflag:s23], $0x4000;
	s6 =	sand.u32 $0x1FFFF800, s6  }
0x3f: {  	s18 =	simm.s32 $0x5900;
	[sflag:s23] =	ssyncset.done $0x0;
	s17 =	sadd.s32 s3, s6  }
0x40: {  	s20 =	simm.s32 $0x5980;
	[sflag:s23] =	ssyncadd.s32 $0xFFFFC000;
	s6 =	sadd.s32 $0x0, s17  }
.LBB2_5:
0x41: {  	[hbm4b:s6+s5] =	stream.linear.scatter [tilespmem:s18], [sflag:$0x7], $0x40, $0x38;
	[tilespmem:$0x15900] =	vst v63  }
0x42: {  	s6 =	smov.u32 s19;
	s18 =	smov.u32 s20;
	p1 =	sne.s32 s19, $0x7F0  }
.Ltmp3:
0x43: {  	s19 =	sadd.s32 $0x10, s19;
	(pc) =	sbr.rel @p1 .LBB2_5-.Ltmp3, $2  }
0x44: {  	_ =	sdelay $0x2  }
0x45: {  	s20 =	sadd.s32 $0x80, s20;
	s6 =	sadd.s32 s6, s17  }
0x46: {  	[hbm4b:s6+s5] =	stream.linear.scatter [tilespmem:s18], [sflag:$0x7], $0x40, $0x38;
	[tilespmem:$0x15900] =	vst v63  }
0x47: {  	s6 =	simm.s32 @!p0 $0x7  }
0x48: {  	_ =	swait.ge @!p0 [sflag:s6], $0x2000  }
0x49: {  	s17 =	simm.s32 @!p0 $0x80;
	s18 =	simm.s32 @!p0 $0x5900;
	[sflag:s6] =	ssyncset.done @!p0 $0x0  }
0x4a: {  	s20 =	sadd.s32 s15, s8;
	[sflag:s6] =	ssyncadd.s32 @!p0 $0xFFFFE000;
	s6 =	sadd.s32 @!p0 $0x300, s16  }
0x4b: {  	[tilespmem:s18], [sflag:$0x2] =	stream.indirect.gather @!p0 [hbm4b:s2+s17], $0x80, s6, s17, $0xb8;
	[tilespmem:$0x15900] =	vst v63  }
0x4c: {  	s6 =	sshll.u32 s20, $0x4  }
0x4d: {  	s19 =	simm.s32 $0x10;
	_ =	swait.ge [sflag:s24], $0x4000;
	s6 =	sand.u32 $0x1FFFF800, s6  }
0x4e: {  	s18 =	simm.s32 $0x9900;
	[sflag:s24] =	ssyncset.done $0x0;
	s17 =	sadd.s32 s3, s6  }
0x4f: {  	s20 =	simm.s32 $0x9980;
	[sflag:s24] =	ssyncadd.s32 $0xFFFFC000;
	s6 =	sadd.s32 $0x0, s17  }
.LBB2_7:
0x50: {  	[hbm4b:s6+s5] =	stream.linear.scatter [tilespmem:s18], [sflag:$0x8], $0x40, $0x38;
	[tilespmem:$0x15900] =	vst v63  }
0x51: {  	s6 =	smov.u32 s19;
	s18 =	smov.u32 s20;
	p1 =	sne.s32 s19, $0x7F0  }
.Ltmp4:
0x52: {  	s19 =	sadd.s32 $0x10, s19;
	(pc) =	sbr.rel @p1 .LBB2_7-.Ltmp4, $2  }
0x53: {  	_ =	sdelay $0x2  }
0x54: {  	s20 =	sadd.s32 $0x80, s20;
	s6 =	sadd.s32 s6, s17  }
0x55: {  	[hbm4b:s6+s5] =	stream.linear.scatter [tilespmem:s18], [sflag:$0x8], $0x40, $0x38;
	[tilespmem:$0x15900] =	vst v63  }
0x56: {  	s6 =	simm.s32 @!p0 $0x8  }
0x57: {  	_ =	swait.ge @!p0 [sflag:s6], $0x2000  }
0x58: {  	s17 =	simm.s32 @!p0 $0x80;
	s18 =	simm.s32 @!p0 $0x9900;
	[sflag:s6] =	ssyncset.done @!p0 $0x0  }
0x59: {  	s20 =	sadd.s32 s15, s9;
	[sflag:s6] =	ssyncadd.s32 @!p0 $0xFFFFE000;
	s6 =	sadd.s32 @!p0 $0x380, s16  }
0x5a: {  	[tilespmem:s18], [sflag:$0x3] =	stream.indirect.gather @!p0 [hbm4b:s2+s17], $0x80, s6, s17, $0xb8;
	[tilespmem:$0x15900] =	vst v63  }
0x5b: {  	s6 =	sshll.u32 s20, $0x4  }
0x5c: {  	s19 =	simm.s32 $0x10;
	_ =	swait.ge [sflag:s25], $0x4000;
	s6 =	sand.u32 $0x1FFFF800, s6  }
0x5d: {  	s18 =	simm.s32 $0xD900;
	[sflag:s25] =	ssyncset.done $0x0;
	s17 =	sadd.s32 s3, s6  }
0x5e: {  	s20 =	simm.s32 $0xD980;
	[sflag:s25] =	ssyncadd.s32 $0xFFFFC000;
	s6 =	sadd.s32 $0x0, s17  }
.LBB2_9:
0x5f: {  	[hbm4b:s6+s5] =	stream.linear.scatter [tilespmem:s18], [sflag:$0x9], $0x40, $0x38;
	[tilespmem:$0x15900] =	vst v63  }
0x60: {  	s6 =	smov.u32 s19;
	s18 =	smov.u32 s20;
	p1 =	sne.s32 s19, $0x7F0  }
.Ltmp5:
0x61: {  	s19 =	sadd.s32 $0x10, s19;
	(pc) =	sbr.rel @p1 .LBB2_9-.Ltmp5, $2  }
0x62: {  	_ =	sdelay $0x2  }
0x63: {  	s20 =	sadd.s32 $0x80, s20;
	s6 =	sadd.s32 s6, s17  }
0x64: {  	[hbm4b:s6+s5] =	stream.linear.scatter [tilespmem:s18], [sflag:$0x9], $0x40, $0x38;
	[tilespmem:$0x15900] =	vst v63  }
0x65: {  	s6 =	simm.s32 @!p0 $0x9  }
0x66: {  	_ =	swait.ge @!p0 [sflag:s6], $0x2000  }
0x67: {  	s17 =	simm.s32 @!p0 $0xD900;
	s20 =	sadd.s32 s15, s10;
	[sflag:s6] =	ssyncset.done @!p0 $0x0  }
0x68: {  	[sflag:s6] =	ssyncadd.s32 @!p0 $0xFFFFE000;
	s6 =	sadd.s32 @!p0 $0x400, s16;
	s16 =	simm.s32 @!p0 $0x80  }
0x69: {  	[tilespmem:s17], [sflag:$0x4] =	stream.indirect.gather @!p0 [hbm4b:s2+s16], $0x80, s6, s16, $0xb8;
	[tilespmem:$0x15900] =	vst v63  }
0x6a: {  	s6 =	sshll.u32 s20, $0x4  }
0x6b: {  	s18 =	simm.s32 $0x11980;
	_ =	swait.ge [sflag:s26], $0x4000;
	s6 =	sand.u32 $0x1FFFF800, s6  }
0x6c: {  	s16 =	simm.s32 $0x11900;
	[sflag:s26] =	ssyncset.done $0x0;
	s15 =	sadd.s32 s3, s6  }
0x6d: {  	s17 =	simm.s32 $0x10;
	[sflag:s26] =	ssyncadd.s32 $0xFFFFC000;
	s6 =	sadd.s32 $0x0, s15  }
.LBB2_11:
0x6e: {  	[hbm4b:s6+s5] =	stream.linear.scatter [tilespmem:s16], [sflag:$0xA], $0x40, $0x38;
	[tilespmem:$0x15900] =	vst v63  }
0x6f: {  	s6 =	smov.u32 s17;
	s16 =	smov.u32 s18;
	p1 =	sne.s32 s17, $0x7F0  }
.Ltmp6:
0x70: {  	s17 =	sadd.s32 $0x10, s17;
	(pc) =	sbr.rel @p1 .LBB2_11-.Ltmp6, $2  }
0x71: {  	_ =	sdelay $0x2  }
0x72: {  	s18 =	sadd.s32 $0x80, s18;
	s6 =	sadd.s32 s6, s15  }
.Ltmp7:
0x73: {  	(pc) =	sbr.rel @p0 .LBB2_14-.Ltmp7, $2  }
0x74: {  	_ =	sdelay $0x2  }
0x75: {  	[hbm4b:s6+s5] =	stream.linear.scatter [tilespmem:s16], [sflag:$0xA], $0x40, $0x38;
	[tilespmem:$0x15900] =	vst v63  }
0x76: {  	s6 =	smul.u32 $0xA00, s14  }
.Ltmp8:
0x77: {  	_ = 	snop;
	(pc) =	sbr.rel .LBB2_2-.Ltmp8, $4  }
0x78: {  	_ =	swait.ge [sflag:s1], $0x2000  }
0x79: {  	[sflag:s1] =	ssyncset.done $0x0;
	s6 =	sshra.s32 s6, $0x2  }
0x7a: {  	s14 =	sadd.s32 $0x1, s14;
	[sflag:s1] =	ssyncadd.s32 $0xFFFFE000;
	s6 =	sadd.s32 $0x480, s6  }
0x7b: {  	[tilespmem:s21], [sflag:$0x5] =	stream.indirect.gather [hbm4b:s2+s13], $0x80, s6, s13, $0xb8;
	[tilespmem:$0x15900] =	vst v63  }
.LBB2_15:
0x7c: {  	_ =	sfence.sel $0x180000  }
0x7d: {  	[bflag:$0x0] =	sbarrier.arrive $0xFFFF  }
0x7e: {  	_ =	strace $0x90000047  }
0x7f: {  	s0 =	stileid.u32;
	[bflag:$0x2] =	sbarrier.arrive $0xFFFF  }
0x80: {  	p0 =	sne.s32 s0, $0x0;
	s0 =	rddreg [dreg:$0x3]  }
0x81: {  	s0 =	sadd.s32 @!p0 $0x100000, s0  }
0x82: {  	[sflag:s0] =	ssyncadd.tile.s32 @!p0 $0x1;
	_ =	shalt  }
.Lfunc_end2:
_tile_overlayer_lowered:
.L_overlay_start_2:
0x83: {  	(tag) =	ssettag $0x2  }
0x84: {  	s0 =	rddreg [dreg:$0x0];
	s2 =	stileid.u32  }
0x85: {  	s1 =	rddreg [dreg:$0x1];
	p0 =	sne.s32 s2, $0x0  }
0x86: {  	s3 =	rddreg [dreg:$0x2];
	[bflag:$0x3] =	sbarrier.arrive $0xFFFF;
	s2 =	simm.s32 @!p0 $0x1C0B  }
0x87: {  	[timem:s3], [sflag:s2] =	dma.local @!p0 [hbm:s0], s1  }
0x88: {  	s0 =	simm.s32 @!p0 $0xB  }
0x89: {  	_ =	swait.ge @!p0 [sflag:s0], s1  }
0x8a: {  	s1 =	ssub.s32 @!p0 $0x0, s1;
	[sflag:s0] =	ssyncset.done @!p0 $0x0  }
0x8b: {  	[sflag:s0] =	ssyncadd.s32 @!p0 s1  }
0x8c: {  	[bflag:$0x3] =	sbarrier.arrive $0xFFFF  }
0x8d: {  	_ =	shalt  }

</sc_bundles>
